<compile_context>
chip_gen: v7x
topology: tpu7x:2x2x1
jax: 0.10.2.dev20260603
libtpu: 0.0.44.dev20260713+nightly
codegen_flags: <defaults>
</compile_context>

<pallas_src>
import functools

import jax
import jax.numpy as jnp
from jax import lax
from jax.experimental import pallas as pl
from jax.experimental.pallas import tpu as pltpu
from jax.experimental.pallas import tpu_sc as plsc

N = 10000
E = 160000
D_IN = 256
D_HID = 128
D_OUT = 128

NC = 2
NS = 16
NW = NC * NS
CHUNK = 128
NCHUNK = 40
E_PAD = NW * NCHUNK * CHUNK
N_PAD = 10240
RPT = N_PAD // NS


def _scatter_body(g_hbm, src_hbm, dst_hbm, zeros_hbm, out_hbm, sidx_v, didx_v,
                  rows_v, acc_sh, sem):
  cid = lax.axis_index("c")
  sid = lax.axis_index("s")
  wid = cid * NS + sid
  pltpu.sync_copy(zeros_hbm, acc_sh.at[pl.ds(sid * RPT, RPT)])
  pltpu.sync_copy(src_hbm.at[wid], sidx_v)
  pltpu.sync_copy(dst_hbm.at[wid], didx_v)
  plsc.subcore_barrier()

  @pl.loop(0, NCHUNK, step=2)
  def _(j):
    cp0 = pltpu.async_copy(g_hbm.at[sidx_v.at[j]], rows_v.at[0], sem)
    cp1 = pltpu.async_copy(g_hbm.at[sidx_v.at[j + 1]], rows_v.at[1], sem)
    cp0.wait()
    cp1.wait()
    pltpu.sync_copy(rows_v.at[0], acc_sh.at[didx_v.at[j]], add=True)
    pltpu.sync_copy(rows_v.at[1], acc_sh.at[didx_v.at[j + 1]], add=True)
  plsc.subcore_barrier()
  pltpu.sync_copy(acc_sh.at[pl.ds(sid * RPT, RPT)],
                  out_hbm.at[pl.ds(cid * N_PAD + sid * RPT, RPT)])


@functools.cache
def _scatter_sc():
  mesh = plsc.VectorSubcoreMesh(
      core_axis_name="c", subcore_axis_name="s", num_cores=NC,
      num_subcores=NS)
  return pl.kernel(
      _scatter_body,
      out_type=jax.ShapeDtypeStruct((NC * N_PAD, D_HID), jnp.float32),
      mesh=mesh,
      scratch_types=[
          pltpu.VMEM((NCHUNK, CHUNK), jnp.int32),
          pltpu.VMEM((NCHUNK, CHUNK), jnp.int32),
          pltpu.VMEM((2, CHUNK, D_HID), jnp.float32),
          pltpu.VMEM_SHARED((N_PAD, D_HID), jnp.float32),
          pltpu.SemaphoreType.DMA,
      ],
  )


_BR = 400


def _dis_from(deg_ref):
  deg = deg_ref[0] + deg_ref[1] + 1.0
  return lax.rsqrt(deg[:, :1])


def _mm1_body(x_ref, w_ref, deg_ref, out_ref):
  dis = _dis_from(deg_ref)
  hw = jnp.dot(x_ref[...], w_ref[...], preferred_element_type=jnp.float32)
  out_ref[...] = hw * dis


def _mm2_body(acc_ref, g_ref, deg_ref, b_ref, w_ref, out_ref):
  dis = _dis_from(deg_ref)
  h = dis * (acc_ref[0] + acc_ref[1] + g_ref[...]) + b_ref[...]
  h = jnp.maximum(h, 0.0)
  hw = jnp.dot(h, w_ref[...], preferred_element_type=jnp.float32)
  out_ref[...] = hw * dis


def _fin_body(acc_ref, g_ref, deg_ref, b_ref, out_ref):
  dis = _dis_from(deg_ref)
  out_ref[...] = dis * (acc_ref[0] + acc_ref[1] + g_ref[...]) + b_ref[...]


_ACC_SPEC = pl.BlockSpec((2, _BR, D_HID), lambda i: (0, i, 0))
_G_SPEC = pl.BlockSpec((_BR, D_HID), lambda i: (i, 0))
_DEG_SPEC = pl.BlockSpec((2, _BR, 16), lambda i: (0, i, 0))


def _mm1(x, w1, deg2):
  return pl.pallas_call(
      _mm1_body,
      grid=(N // _BR,),
      in_specs=[
          pl.BlockSpec((_BR, D_IN), lambda i: (i, 0)),
          pl.BlockSpec((D_IN, D_HID), lambda i: (0, 0)),
          _DEG_SPEC,
      ],
      out_specs=pl.BlockSpec((_BR, D_HID), lambda i: (i, 0)),
      out_shape=jax.ShapeDtypeStruct((N, D_HID), jnp.float32),
  )(x, w1, deg2)


def _mm2(acc2, g, deg2, b1, w2):
  return pl.pallas_call(
      _mm2_body,
      grid=(N // _BR,),
      in_specs=[
          _ACC_SPEC,
          _G_SPEC,
          _DEG_SPEC,
          pl.BlockSpec((1, D_HID), lambda i: (0, 0)),
          pl.BlockSpec((D_HID, D_OUT), lambda i: (0, 0)),
      ],
      out_specs=pl.BlockSpec((_BR, D_OUT), lambda i: (i, 0)),
      out_shape=jax.ShapeDtypeStruct((N, D_OUT), jnp.float32),
  )(acc2, g, deg2, b1, w2)


def _fin(acc2, g, deg2, b2):
  return pl.pallas_call(
      _fin_body,
      grid=(N // _BR,),
      in_specs=[
          _ACC_SPEC,
          _G_SPEC,
          _DEG_SPEC,
          pl.BlockSpec((1, D_OUT), lambda i: (0, 0)),
      ],
      out_specs=pl.BlockSpec((_BR, D_OUT), lambda i: (i, 0)),
      out_shape=jax.ShapeDtypeStruct((N, D_OUT), jnp.float32),
  )(acc2, g, deg2, b2)


@jax.jit
def _run(x, edge_index, w1, b1, w2, b2):
  ei = edge_index.astype(jnp.int32)
  pad = E_PAD - E
  src_f = jnp.concatenate([ei[0], jnp.zeros((pad,), jnp.int32)])
  dst_f = jnp.concatenate([ei[1], jnp.full((pad,), N, jnp.int32)])
  src32 = src_f.reshape(NW, NCHUNK, CHUNK)
  dst32 = dst_f.reshape(NW, NCHUNK, CHUNK)

  zeros128 = jnp.zeros((RPT, D_HID), jnp.float32)

  deg = jax.ops.segment_sum(jnp.ones((E,), jnp.float32), ei[1],
                            num_segments=N)
  deg2 = jnp.zeros((NC, N_PAD, 16), jnp.float32).at[0, :N, :].set(
      deg[:, None])

  g1 = _mm1(x, w1, deg2)
  acc1 = _scatter_sc()(g1, src32, dst32, zeros128).reshape(NC, N_PAD, D_HID)
  g2 = _mm2(acc1, g1, deg2, b1.reshape(1, D_HID), w2)
  acc2 = _scatter_sc()(g2, src32, dst32, zeros128).reshape(NC, N_PAD, D_OUT)
  return _fin(acc2, g2, deg2, b2.reshape(1, D_OUT))


def kernel(x, edge_index, cache_name, W1, b1, W2, b2):
  return _run(x, edge_index, W1, b1, W2, b2)

# --- scband reference (transcript-rebuilt; emitter-appended) ---
"""Pipeline reference for scband-gnn-77068893159614 (READ-ONLY COPY).

The authoritative reference and input builder live on the scoring server;
editing this copy changes nothing except your own understanding.
"""

import jax, jax.numpy as jnp
import numpy as np

N_NODES = 10000
N_EDGES = 160000
D_IN = 256
D_HID = 128
D_OUT = 128


def setup_inputs(seed: int = 0) -> dict:
    key = jax.random.key(seed)
    k1, k2, k3, k4, k5, k6 = jax.random.split(key, 6)
    x = jax.random.normal(k1, (N_NODES, D_IN), dtype=jnp.float32)
    edge_index = jax.random.randint(k2, (2, N_EDGES), 0, N_NODES, dtype=jnp.int64)
    W1 = jax.random.normal(k3, (D_IN, D_HID), dtype=jnp.float32) * 0.05
    b1 = jnp.zeros((D_HID,), dtype=jnp.float32)
    W2 = jax.random.normal(k4, (D_HID, D_OUT), dtype=jnp.float32) * 0.05
    b2 = jnp.zeros((D_OUT,), dtype=jnp.float32)
    return {"x": x, "edge_index": edge_index, "cache_name": 0, "W1": W1, "b1": b1, "W2": W2, "b2": b2}


def _gcn_layer(h, W, b, edge_index, n):
    # CachedGCNConv: gcn_norm with self-loops, symmetric deg^-1/2 normalization
    src = edge_index[0]
    dst = edge_index[1]
    loop = jnp.arange(n, dtype=src.dtype)
    s = jnp.concatenate([src, loop])
    d = jnp.concatenate([dst, loop])
    ones = jnp.ones((s.shape[0],), dtype=h.dtype)
    deg = jax.ops.segment_sum(ones, d, num_segments=n)
    deg_inv_sqrt = jnp.where(deg > 0, jax.lax.rsqrt(jnp.maximum(deg, 1e-12)), 0.0)
    norm = deg_inv_sqrt[s] * deg_inv_sqrt[d]
    hw = h @ W
    msg = hw[s] * norm[:, None]
    out = jax.ops.segment_sum(msg, d, num_segments=n)
    return out + b


def reference(x, edge_index, cache_name, W1, b1, W2, b2):
    n = x.shape[0]
    h = _gcn_layer(x, W1, b1, edge_index, n)
    h = jax.nn.relu(h)
    # dropout is identity in eval mode
    out = _gcn_layer(h, W2, b2, edge_index, n)
    return out

if __name__ == "__main__":
    import jax
    _d = setup_inputs()
    print(jax.jit(kernel)(*tuple(_d.values())))

</pallas_src>

<mosaic_0001>
#map = affine_map<(d0, d1) -> (0, 0)>
#map1 = affine_map<(d0, d1) -> (0, 0, 0)>
module attributes {stable_mosaic.version = 14 : i64} {
  func.func @_scatter_body(%arg0: i32, %arg1: i32, %arg2: memref<10000x128xf32, #tpu.memory_space<hbm>>, %arg3: memref<32x40x128xi32, #tpu.memory_space<hbm>>, %arg4: memref<32x40x128xi32, #tpu.memory_space<hbm>>, %arg5: memref<640x128xf32, #tpu.memory_space<hbm>>, %arg6: memref<20480x128xf32, #tpu.memory_space<hbm>>, %arg7: memref<40x128xi32, #tpu.memory_space<vmem>>, %arg8: memref<40x128xi32, #tpu.memory_space<vmem>>, %arg9: memref<2x128x128xf32, #tpu.memory_space<vmem>>, %arg10: memref<10240x128xf32, #tpu.memory_space<vmem_shared>>, %arg11: memref<!tpu.dma_semaphore, #tpu.memory_space<semaphore_mem>>) attributes {dimension_semantics = [#tpu.dimension_semantics<core_parallel>, #tpu.dimension_semantics<subcore_parallel>], iteration_bounds = array<i64: 2, 16>, scalar_prefetch = 0 : i64, scratch_operands = 5 : i64, tpu.core_type = #tpu.core_type<sc_vector_subcore>, window_params = [{transform_indices = #map}, {transform_indices = #map1}, {transform_indices = #map1}, {transform_indices = #map}, {transform_indices = #map}]} {
    %mul3A = arith.constant 16 : i32
    %mul3A_0 = arith.muli %arg0, %mul3A : i32
    %add3A = arith.addi %mul3A_0, %arg1 : i32
    %mul3A_1 = arith.constant 640 : i32
    %mul3A_2 = arith.muli %arg1, %mul3A_1 : i32
    "tpu.region"() ({
      %run_scoped3A = tpu.sem_alloc : memref<!tpu.dma_semaphore, #tpu.memory_space<semaphore_mem>>
      %dma_start3A = arith.constant 0 : i32
      %dma_start3A_15 = tpu.memref_slice %arg10[%mul3A_2, %dma_start3A] : memref<10240x128xf32, #tpu.memory_space<vmem_shared>> -> memref<640x128xf32, #tpu.memory_space<vmem_shared>>
      tpu.enqueue_dma source(%arg5 : memref<640x128xf32, #tpu.memory_space<hbm>>) target(%dma_start3A_15 : memref<640x128xf32, #tpu.memory_space<vmem_shared>>) target_semaphore(%run_scoped3A : memref<!tpu.dma_semaphore, #tpu.memory_space<semaphore_mem>>)
      %dma_wait3A = arith.constant 0 : i32
      %dma_wait3A_16 = tpu.memref_slice %arg10[%mul3A_2, %dma_wait3A] : memref<10240x128xf32, #tpu.memory_space<vmem_shared>> -> memref<640x128xf32, #tpu.memory_space<vmem_shared>>
      tpu.wait_dma2 semaphore(%run_scoped3A : memref<!tpu.dma_semaphore, #tpu.memory_space<semaphore_mem>>) src(%arg5 : memref<640x128xf32, #tpu.memory_space<hbm>>) dst(%dma_wait3A_16 : memref<640x128xf32, #tpu.memory_space<vmem_shared>>)
      tpu.yield
    }) : () -> ()
    "tpu.region"() ({
      %run_scoped3A = tpu.sem_alloc : memref<!tpu.dma_semaphore, #tpu.memory_space<semaphore_mem>>
      %dma_start3A = arith.constant 0 : i32
      %dma_start3A_15 = arith.constant 0 : i32
      %dma_start3A_16 = tpu.memref_slice %arg3[%add3A, %dma_start3A, %dma_start3A_15] : memref<32x40x128xi32, #tpu.memory_space<hbm>> -> memref<1x40x128xi32, #tpu.memory_space<hbm>>
      %dma_start3A_17 = tpu.memref_squeeze %dma_start3A_16 : memref<1x40x128xi32, #tpu.memory_space<hbm>> -> memref<40x128xi32, #tpu.memory_space<hbm>>
      %dma_start3A_18 = arith.constant 0 : i32
      %dma_start3A_19 = arith.constant 0 : i32
      %dma_start3A_20 = tpu.memref_slice %arg3[%add3A, %dma_start3A_18, %dma_start3A_19] : memref<32x40x128xi32, #tpu.memory_space<hbm>> -> memref<1x40x128xi32, #tpu.memory_space<hbm>>
      %dma_start3A_21 = tpu.memref_squeeze %dma_start3A_20 : memref<1x40x128xi32, #tpu.memory_space<hbm>> -> memref<40x128xi32, #tpu.memory_space<hbm>>
      tpu.enqueue_dma source(%dma_start3A_21 : memref<40x128xi32, #tpu.memory_space<hbm>>) target(%arg7 : memref<40x128xi32, #tpu.memory_space<vmem>>) target_semaphore(%run_scoped3A : memref<!tpu.dma_semaphore, #tpu.memory_space<semaphore_mem>>)
      %dma_wait3A = arith.constant 0 : i32
      %dma_wait3A_22 = arith.constant 0 : i32
      %dma_wait3A_23 = tpu.memref_slice %arg3[%add3A, %dma_wait3A, %dma_wait3A_22] : memref<32x40x128xi32, #tpu.memory_space<hbm>> -> memref<1x40x128xi32, #tpu.memory_space<hbm>>
      %dma_wait3A_24 = tpu.memref_squeeze %dma_wait3A_23 : memref<1x40x128xi32, #tpu.memory_space<hbm>> -> memref<40x128xi32, #tpu.memory_space<hbm>>
      %dma_wait3A_25 = arith.constant 0 : i32
      %dma_wait3A_26 = arith.constant 0 : i32
      %dma_wait3A_27 = tpu.memref_slice %arg3[%add3A, %dma_wait3A_25, %dma_wait3A_26] : memref<32x40x128xi32, #tpu.memory_space<hbm>> -> memref<1x40x128xi32, #tpu.memory_space<hbm>>
      %dma_wait3A_28 = tpu.memref_squeeze %dma_wait3A_27 : memref<1x40x128xi32, #tpu.memory_space<hbm>> -> memref<40x128xi32, #tpu.memory_space<hbm>>
      tpu.wait_dma2 semaphore(%run_scoped3A : memref<!tpu.dma_semaphore, #tpu.memory_space<semaphore_mem>>) src(%dma_wait3A_28 : memref<40x128xi32, #tpu.memory_space<hbm>>) dst(%arg7 : memref<40x128xi32, #tpu.memory_space<vmem>>)
      tpu.yield
    }) : () -> ()
    "tpu.region"() ({
      %run_scoped3A = tpu.sem_alloc : memref<!tpu.dma_semaphore, #tpu.memory_space<semaphore_mem>>
      %dma_start3A = arith.constant 0 : i32
      %dma_start3A_15 = arith.constant 0 : i32
      %dma_start3A_16 = tpu.memref_slice %arg4[%add3A, %dma_start3A, %dma_start3A_15] : memref<32x40x128xi32, #tpu.memory_space<hbm>> -> memref<1x40x128xi32, #tpu.memory_space<hbm>>
      %dma_start3A_17 = tpu.memref_squeeze %dma_start3A_16 : memref<1x40x128xi32, #tpu.memory_space<hbm>> -> memref<40x128xi32, #tpu.memory_space<hbm>>
      %dma_start3A_18 = arith.constant 0 : i32
      %dma_start3A_19 = arith.constant 0 : i32
      %dma_start3A_20 = tpu.memref_slice %arg4[%add3A, %dma_start3A_18, %dma_start3A_19] : memref<32x40x128xi32, #tpu.memory_space<hbm>> -> memref<1x40x128xi32, #tpu.memory_space<hbm>>
      %dma_start3A_21 = tpu.memref_squeeze %dma_start3A_20 : memref<1x40x128xi32, #tpu.memory_space<hbm>> -> memref<40x128xi32, #tpu.memory_space<hbm>>
      tpu.enqueue_dma source(%dma_start3A_21 : memref<40x128xi32, #tpu.memory_space<hbm>>) target(%arg8 : memref<40x128xi32, #tpu.memory_space<vmem>>) target_semaphore(%run_scoped3A : memref<!tpu.dma_semaphore, #tpu.memory_space<semaphore_mem>>)
      %dma_wait3A = arith.constant 0 : i32
      %dma_wait3A_22 = arith.constant 0 : i32
      %dma_wait3A_23 = tpu.memref_slice %arg4[%add3A, %dma_wait3A, %dma_wait3A_22] : memref<32x40x128xi32, #tpu.memory_space<hbm>> -> memref<1x40x128xi32, #tpu.memory_space<hbm>>
      %dma_wait3A_24 = tpu.memref_squeeze %dma_wait3A_23 : memref<1x40x128xi32, #tpu.memory_space<hbm>> -> memref<40x128xi32, #tpu.memory_space<hbm>>
      %dma_wait3A_25 = arith.constant 0 : i32
      %dma_wait3A_26 = arith.constant 0 : i32
      %dma_wait3A_27 = tpu.memref_slice %arg4[%add3A, %dma_wait3A_25, %dma_wait3A_26] : memref<32x40x128xi32, #tpu.memory_space<hbm>> -> memref<1x40x128xi32, #tpu.memory_space<hbm>>
      %dma_wait3A_28 = tpu.memref_squeeze %dma_wait3A_27 : memref<1x40x128xi32, #tpu.memory_space<hbm>> -> memref<40x128xi32, #tpu.memory_space<hbm>>
      tpu.wait_dma2 semaphore(%run_scoped3A : memref<!tpu.dma_semaphore, #tpu.memory_space<semaphore_mem>>) src(%dma_wait3A_28 : memref<40x128xi32, #tpu.memory_space<hbm>>) dst(%arg8 : memref<40x128xi32, #tpu.memory_space<vmem>>)
      tpu.yield
    }) : () -> ()
    %barrier3A = arith.constant 0 : index
    tpu.barrier barrier_id(%barrier3A)
    %scan3A = arith.constant 0 : i32
    %scan3A_3 = arith.constant 20 : i32
    %scan3A_4 = arith.addi %scan3A, %scan3A_3 : i32
    %scan3A_5 = arith.constant 1 : i32
    scf.for %scan3A_15 = %scan3A to %scan3A_4 step %scan3A_5  : i32 {
      %mul3A_16 = arith.constant 2 : i32
      %mul3A_17 = arith.muli %scan3A_15, %mul3A_16 : i32
      %add3A_18 = arith.constant 0 : i32
      %add3A_19 = arith.addi %add3A_18, %mul3A_17 : i32
      %dma_start3A = arith.constant 0 : i32
      %dma_start3A_20 = arith.constant 0 : i32
      %dma_start3A_21 = arith.constant 0 : i32
      %dma_start3A_22 = tpu.memref_slice %arg9[%dma_start3A, %dma_start3A_20, %dma_start3A_21] : memref<2x128x128xf32, #tpu.memory_space<vmem>> -> memref<1x128x128xf32, #tpu.memory_space<vmem>>
      %dma_start3A_23 = tpu.memref_squeeze %dma_start3A_22 : memref<1x128x128xf32, #tpu.memory_space<vmem>> -> memref<128x128xf32, #tpu.memory_space<vmem>>
      %dma_start3A_24 = arith.constant 0 : i32
      %dma_start3A_25 = tpu.memref_slice %arg7[%add3A_19, %dma_start3A_24] : memref<40x128xi32, #tpu.memory_space<vmem>> -> memref<1x128xi32, #tpu.memory_space<vmem>>
      %dma_start3A_26 = tpu.memref_squeeze %dma_start3A_25 : memref<1x128xi32, #tpu.memory_space<vmem>> -> memref<128xi32, #tpu.memory_space<vmem>>
      %dma_start3A_27 = arith.constant 0 : i32
      %dma_start3A_28 = arith.constant 0 : i32
      %dma_start3A_29 = tpu.memref_slice %arg2[%dma_start3A_27, %dma_start3A_28] : memref<10000x128xf32, #tpu.memory_space<hbm>> -> memref<10000x128xf32, #tpu.memory_space<hbm>>
      tpu.enqueue_indirect_dma source(%dma_start3A_29 : memref<10000x128xf32, #tpu.memory_space<hbm>>) target(%dma_start3A_23 : memref<128x128xf32, #tpu.memory_space<vmem>>) offsets(%dma_start3A_26 : memref<128xi32, #tpu.memory_space<vmem>>) semaphore(%arg11 : memref<!tpu.dma_semaphore, #tpu.memory_space<semaphore_mem>>)
      %add3A_30 = arith.constant 1 : i32
      %add3A_31 = arith.addi %add3A_19, %add3A_30 : i32
      %dma_start3A_32 = arith.constant 1 : i32
      %dma_start3A_33 = arith.constant 0 : i32
      %dma_start3A_34 = arith.constant 0 : i32
      %dma_start3A_35 = tpu.memref_slice %arg9[%dma_start3A_32, %dma_start3A_33, %dma_start3A_34] : memref<2x128x128xf32, #tpu.memory_space<vmem>> -> memref<1x128x128xf32, #tpu.memory_space<vmem>>
      %dma_start3A_36 = tpu.memref_squeeze %dma_start3A_35 : memref<1x128x128xf32, #tpu.memory_space<vmem>> -> memref<128x128xf32, #tpu.memory_space<vmem>>
      %dma_start3A_37 = arith.constant 0 : i32
      %dma_start3A_38 = tpu.memref_slice %arg7[%add3A_31, %dma_start3A_37] : memref<40x128xi32, #tpu.memory_space<vmem>> -> memref<1x128xi32, #tpu.memory_space<vmem>>
      %dma_start3A_39 = tpu.memref_squeeze %dma_start3A_38 : memref<1x128xi32, #tpu.memory_space<vmem>> -> memref<128xi32, #tpu.memory_space<vmem>>
      %dma_start3A_40 = arith.constant 0 : i32
      %dma_start3A_41 = arith.constant 0 : i32
      %dma_start3A_42 = tpu.memref_slice %arg2[%dma_start3A_40, %dma_start3A_41] : memref<10000x128xf32, #tpu.memory_space<hbm>> -> memref<10000x128xf32, #tpu.memory_space<hbm>>
      tpu.enqueue_indirect_dma source(%dma_start3A_42 : memref<10000x128xf32, #tpu.memory_space<hbm>>) target(%dma_start3A_36 : memref<128x128xf32, #tpu.memory_space<vmem>>) offsets(%dma_start3A_39 : memref<128xi32, #tpu.memory_space<vmem>>) semaphore(%arg11 : memref<!tpu.dma_semaphore, #tpu.memory_space<semaphore_mem>>)
      %dma_wait3A = arith.constant 0 : i32
      %dma_wait3A_43 = arith.constant 0 : i32
      %dma_wait3A_44 = arith.constant 0 : i32
      %dma_wait3A_45 = tpu.memref_slice %arg9[%dma_wait3A, %dma_wait3A_43, %dma_wait3A_44] : memref<2x128x128xf32, #tpu.memory_space<vmem>> -> memref<1x128x128xf32, #tpu.memory_space<vmem>>
      %dma_wait3A_46 = tpu.memref_squeeze %dma_wait3A_45 : memref<1x128x128xf32, #tpu.memory_space<vmem>> -> memref<128x128xf32, #tpu.memory_space<vmem>>
      %dma_wait3A_47 = arith.constant 0 : i32
      %dma_wait3A_48 = tpu.memref_slice %arg7[%add3A_19, %dma_wait3A_47] : memref<40x128xi32, #tpu.memory_space<vmem>> -> memref<1x128xi32, #tpu.memory_space<vmem>>
      %dma_wait3A_49 = tpu.memref_squeeze %dma_wait3A_48 : memref<1x128xi32, #tpu.memory_space<vmem>> -> memref<128xi32, #tpu.memory_space<vmem>>
      %dma_wait3A_50 = arith.constant 0 : i32
      %dma_wait3A_51 = arith.constant 0 : i32
      %dma_wait3A_52 = tpu.memref_slice %arg2[%dma_wait3A_50, %dma_wait3A_51] : memref<10000x128xf32, #tpu.memory_space<hbm>> -> memref<10000x128xf32, #tpu.memory_space<hbm>>
      tpu.wait_indirect_dma semaphore(%arg11 : memref<!tpu.dma_semaphore, #tpu.memory_space<semaphore_mem>>) src(%dma_wait3A_52 : memref<10000x128xf32, #tpu.memory_space<hbm>>) dst(%dma_wait3A_46 : memref<128x128xf32, #tpu.memory_space<vmem>>)
      %dma_wait3A_53 = arith.constant 1 : i32
      %dma_wait3A_54 = arith.constant 0 : i32
      %dma_wait3A_55 = arith.constant 0 : i32
      %dma_wait3A_56 = tpu.memref_slice %arg9[%dma_wait3A_53, %dma_wait3A_54, %dma_wait3A_55] : memref<2x128x128xf32, #tpu.memory_space<vmem>> -> memref<1x128x128xf32, #tpu.memory_space<vmem>>
      %dma_wait3A_57 = tpu.memref_squeeze %dma_wait3A_56 : memref<1x128x128xf32, #tpu.memory_space<vmem>> -> memref<128x128xf32, #tpu.memory_space<vmem>>
      %dma_wait3A_58 = arith.constant 0 : i32
      %dma_wait3A_59 = tpu.memref_slice %arg7[%add3A_31, %dma_wait3A_58] : memref<40x128xi32, #tpu.memory_space<vmem>> -> memref<1x128xi32, #tpu.memory_space<vmem>>
      %dma_wait3A_60 = tpu.memref_squeeze %dma_wait3A_59 : memref<1x128xi32, #tpu.memory_space<vmem>> -> memref<128xi32, #tpu.memory_space<vmem>>
      %dma_wait3A_61 = arith.constant 0 : i32
      %dma_wait3A_62 = arith.constant 0 : i32
      %dma_wait3A_63 = tpu.memref_slice %arg2[%dma_wait3A_61, %dma_wait3A_62] : memref<10000x128xf32, #tpu.memory_space<hbm>> -> memref<10000x128xf32, #tpu.memory_space<hbm>>
      tpu.wait_indirect_dma semaphore(%arg11 : memref<!tpu.dma_semaphore, #tpu.memory_space<semaphore_mem>>) src(%dma_wait3A_63 : memref<10000x128xf32, #tpu.memory_space<hbm>>) dst(%dma_wait3A_57 : memref<128x128xf32, #tpu.memory_space<vmem>>)
      %run_scoped3A = arith.constant 0 : i32
      "tpu.region"() ({
        %run_scoped3A_67 = tpu.sem_alloc : memref<!tpu.dma_semaphore, #tpu.memory_space<semaphore_mem>>
        %dma_start3A_68 = arith.constant 0 : i32
        %dma_start3A_69 = arith.constant 0 : i32
        %dma_start3A_70 = tpu.memref_slice %arg9[%run_scoped3A, %dma_start3A_68, %dma_start3A_69] : memref<2x128x128xf32, #tpu.memory_space<vmem>> -> memref<1x128x128xf32, #tpu.memory_space<vmem>>
        %dma_start3A_71 = tpu.memref_squeeze %dma_start3A_70 : memref<1x128x128xf32, #tpu.memory_space<vmem>> -> memref<128x128xf32, #tpu.memory_space<vmem>>
        %dma_start3A_72 = arith.constant 0 : i32
        %dma_start3A_73 = tpu.memref_slice %arg8[%add3A_19, %dma_start3A_72] : memref<40x128xi32, #tpu.memory_space<vmem>> -> memref<1x128xi32, #tpu.memory_space<vmem>>
        %dma_start3A_74 = tpu.memref_squeeze %dma_start3A_73 : memref<1x128xi32, #tpu.memory_space<vmem>> -> memref<128xi32, #tpu.memory_space<vmem>>
        %dma_start3A_75 = arith.constant 0 : i32
        %dma_start3A_76 = arith.constant 0 : i32
        %dma_start3A_77 = tpu.memref_slice %arg10[%dma_start3A_75, %dma_start3A_76] : memref<10240x128xf32, #tpu.memory_space<vmem_shared>> -> memref<10240x128xf32, #tpu.memory_space<vmem_shared>>
        tpu.enqueue_indirect_dma source(%dma_start3A_71 : memref<128x128xf32, #tpu.memory_space<vmem>>) target(%dma_start3A_77 : memref<10240x128xf32, #tpu.memory_space<vmem_shared>>) offsets(%dma_start3A_74 : memref<128xi32, #tpu.memory_space<vmem>>) semaphore(%run_scoped3A_67 : memref<!tpu.dma_semaphore, #tpu.memory_space<semaphore_mem>>) {add = true}
        %dma_wait3A_78 = arith.constant 0 : i32
        %dma_wait3A_79 = arith.constant 0 : i32
        %dma_wait3A_80 = tpu.memref_slice %arg9[%run_scoped3A, %dma_wait3A_78, %dma_wait3A_79] : memref<2x128x128xf32, #tpu.memory_space<vmem>> -> memref<1x128x128xf32, #tpu.memory_space<vmem>>
        %dma_wait3A_81 = tpu.memref_squeeze %dma_wait3A_80 : memref<1x128x128xf32, #tpu.memory_space<vmem>> -> memref<128x128xf32, #tpu.memory_space<vmem>>
        %dma_wait3A_82 = arith.constant 0 : i32
        %dma_wait3A_83 = tpu.memref_slice %arg8[%add3A_19, %dma_wait3A_82] : memref<40x128xi32, #tpu.memory_space<vmem>> -> memref<1x128xi32, #tpu.memory_space<vmem>>
        %dma_wait3A_84 = tpu.memref_squeeze %dma_wait3A_83 : memref<1x128xi32, #tpu.memory_space<vmem>> -> memref<128xi32, #tpu.memory_space<vmem>>
        %dma_wait3A_85 = arith.constant 0 : i32
        %dma_wait3A_86 = arith.constant 0 : i32
        %dma_wait3A_87 = tpu.memref_slice %arg10[%dma_wait3A_85, %dma_wait3A_86] : memref<10240x128xf32, #tpu.memory_space<vmem_shared>> -> memref<10240x128xf32, #tpu.memory_space<vmem_shared>>
        tpu.wait_indirect_dma semaphore(%run_scoped3A_67 : memref<!tpu.dma_semaphore, #tpu.memory_space<semaphore_mem>>) src(%dma_wait3A_81 : memref<128x128xf32, #tpu.memory_space<vmem>>) dst(%dma_wait3A_87 : memref<10240x128xf32, #tpu.memory_space<vmem_shared>>)
        tpu.yield
      }) : () -> ()
      %add3A_64 = arith.constant 1 : i32
      %add3A_65 = arith.addi %add3A_19, %add3A_64 : i32
      %run_scoped3A_66 = arith.constant 1 : i32
      "tpu.region"() ({
        %run_scoped3A_67 = tpu.sem_alloc : memref<!tpu.dma_semaphore, #tpu.memory_space<semaphore_mem>>
        %dma_start3A_68 = arith.constant 0 : i32
        %dma_start3A_69 = arith.constant 0 : i32
        %dma_start3A_70 = tpu.memref_slice %arg9[%run_scoped3A_66, %dma_start3A_68, %dma_start3A_69] : memref<2x128x128xf32, #tpu.memory_space<vmem>> -> memref<1x128x128xf32, #tpu.memory_space<vmem>>
        %dma_start3A_71 = tpu.memref_squeeze %dma_start3A_70 : memref<1x128x128xf32, #tpu.memory_space<vmem>> -> memref<128x128xf32, #tpu.memory_space<vmem>>
        %dma_start3A_72 = arith.constant 0 : i32
        %dma_start3A_73 = tpu.memref_slice %arg8[%add3A_65, %dma_start3A_72] : memref<40x128xi32, #tpu.memory_space<vmem>> -> memref<1x128xi32, #tpu.memory_space<vmem>>
        %dma_start3A_74 = tpu.memref_squeeze %dma_start3A_73 : memref<1x128xi32, #tpu.memory_space<vmem>> -> memref<128xi32, #tpu.memory_space<vmem>>
        %dma_start3A_75 = arith.constant 0 : i32
        %dma_start3A_76 = arith.constant 0 : i32
        %dma_start3A_77 = tpu.memref_slice %arg10[%dma_start3A_75, %dma_start3A_76] : memref<10240x128xf32, #tpu.memory_space<vmem_shared>> -> memref<10240x128xf32, #tpu.memory_space<vmem_shared>>
        tpu.enqueue_indirect_dma source(%dma_start3A_71 : memref<128x128xf32, #tpu.memory_space<vmem>>) target(%dma_start3A_77 : memref<10240x128xf32, #tpu.memory_space<vmem_shared>>) offsets(%dma_start3A_74 : memref<128xi32, #tpu.memory_space<vmem>>) semaphore(%run_scoped3A_67 : memref<!tpu.dma_semaphore, #tpu.memory_space<semaphore_mem>>) {add = true}
        %dma_wait3A_78 = arith.constant 0 : i32
        %dma_wait3A_79 = arith.constant 0 : i32
        %dma_wait3A_80 = tpu.memref_slice %arg9[%run_scoped3A_66, %dma_wait3A_78, %dma_wait3A_79] : memref<2x128x128xf32, #tpu.memory_space<vmem>> -> memref<1x128x128xf32, #tpu.memory_space<vmem>>
        %dma_wait3A_81 = tpu.memref_squeeze %dma_wait3A_80 : memref<1x128x128xf32, #tpu.memory_space<vmem>> -> memref<128x128xf32, #tpu.memory_space<vmem>>
        %dma_wait3A_82 = arith.constant 0 : i32
        %dma_wait3A_83 = tpu.memref_slice %arg8[%add3A_65, %dma_wait3A_82] : memref<40x128xi32, #tpu.memory_space<vmem>> -> memref<1x128xi32, #tpu.memory_space<vmem>>
        %dma_wait3A_84 = tpu.memref_squeeze %dma_wait3A_83 : memref<1x128xi32, #tpu.memory_space<vmem>> -> memref<128xi32, #tpu.memory_space<vmem>>
        %dma_wait3A_85 = arith.constant 0 : i32
        %dma_wait3A_86 = arith.constant 0 : i32
        %dma_wait3A_87 = tpu.memref_slice %arg10[%dma_wait3A_85, %dma_wait3A_86] : memref<10240x128xf32, #tpu.memory_space<vmem_shared>> -> memref<10240x128xf32, #tpu.memory_space<vmem_shared>>
        tpu.wait_indirect_dma semaphore(%run_scoped3A_67 : memref<!tpu.dma_semaphore, #tpu.memory_space<semaphore_mem>>) src(%dma_wait3A_81 : memref<128x128xf32, #tpu.memory_space<vmem>>) dst(%dma_wait3A_87 : memref<10240x128xf32, #tpu.memory_space<vmem_shared>>)
        tpu.yield
      }) : () -> ()
    }
    %scan3A_6 = arith.constant 20 : i32
    %barrier3A_7 = arith.constant 0 : index
    tpu.barrier barrier_id(%barrier3A_7)
    %mul3A_8 = arith.constant 640 : i32
    %mul3A_9 = arith.muli %arg1, %mul3A_8 : i32
    %mul3A_10 = arith.constant 10240 : i32
    %mul3A_11 = arith.muli %arg0, %mul3A_10 : i32
    %mul3A_12 = arith.constant 640 : i32
    %mul3A_13 = arith.muli %arg1, %mul3A_12 : i32
    %add3A_14 = arith.addi %mul3A_11, %mul3A_13 : i32
    "tpu.region"() ({
      %run_scoped3A = tpu.sem_alloc : memref<!tpu.dma_semaphore, #tpu.memory_space<semaphore_mem>>
      %dma_start3A = arith.constant 0 : i32
      %dma_start3A_15 = tpu.memref_slice %arg6[%add3A_14, %dma_start3A] : memref<20480x128xf32, #tpu.memory_space<hbm>> -> memref<640x128xf32, #tpu.memory_space<hbm>>
      %dma_start3A_16 = arith.constant 0 : i32
      %dma_start3A_17 = tpu.memref_slice %arg10[%mul3A_9, %dma_start3A_16] : memref<10240x128xf32, #tpu.memory_space<vmem_shared>> -> memref<640x128xf32, #tpu.memory_space<vmem_shared>>
      tpu.enqueue_dma source(%dma_start3A_17 : memref<640x128xf32, #tpu.memory_space<vmem_shared>>) target(%dma_start3A_15 : memref<640x128xf32, #tpu.memory_space<hbm>>) target_semaphore(%run_scoped3A : memref<!tpu.dma_semaphore, #tpu.memory_space<semaphore_mem>>)
      %dma_wait3A = arith.constant 0 : i32
      %dma_wait3A_18 = tpu.memref_slice %arg6[%add3A_14, %dma_wait3A] : memref<20480x128xf32, #tpu.memory_space<hbm>> -> memref<640x128xf32, #tpu.memory_space<hbm>>
      %dma_wait3A_19 = arith.constant 0 : i32
      %dma_wait3A_20 = tpu.memref_slice %arg10[%mul3A_9, %dma_wait3A_19] : memref<10240x128xf32, #tpu.memory_space<vmem_shared>> -> memref<640x128xf32, #tpu.memory_space<vmem_shared>>
      tpu.wait_dma2 semaphore(%run_scoped3A : memref<!tpu.dma_semaphore, #tpu.memory_space<semaphore_mem>>) src(%dma_wait3A_20 : memref<640x128xf32, #tpu.memory_space<vmem_shared>>) dst(%dma_wait3A_18 : memref<640x128xf32, #tpu.memory_space<hbm>>)
      tpu.yield
    }) : () -> ()
    return
  }
}

#map = affine_map<(d0, d1) -> (0, 0)>
#map1 = affine_map<(d0, d1) -> (0, 0, 0)>
module attributes {stable_mosaic.version = 14 : i64} {
  func.func @_scatter_body(%arg0: i32, %arg1: i32, %arg2: memref<10000x128xf32, #tpu.memory_space<hbm>>, %arg3: memref<32x40x128xi32, #tpu.memory_space<hbm>>, %arg4: memref<32x40x128xi32, #tpu.memory_space<hbm>>, %arg5: memref<640x128xf32, #tpu.memory_space<hbm>>, %arg6: memref<20480x128xf32, #tpu.memory_space<hbm>>, %arg7: memref<40x128xi32, #tpu.memory_space<vmem>>, %arg8: memref<40x128xi32, #tpu.memory_space<vmem>>, %arg9: memref<2x128x128xf32, #tpu.memory_space<vmem>>, %arg10: memref<10240x128xf32, #tpu.memory_space<vmem_shared>>, %arg11: memref<!tpu.dma_semaphore, #tpu.memory_space<semaphore_mem>>) attributes {dimension_semantics = [#tpu.dimension_semantics<core_parallel>, #tpu.dimension_semantics<subcore_parallel>], iteration_bounds = array<i64: 2, 16>, scalar_prefetch = 0 : i64, scratch_operands = 5 : i64, tpu.core_type = #tpu.core_type<sc_vector_subcore>, window_params = [{transform_indices = #map}, {transform_indices = #map1}, {transform_indices = #map1}, {transform_indices = #map}, {transform_indices = #map}]} {
    %mul3A = arith.constant 16 : i32
    %mul3A_0 = arith.muli %arg0, %mul3A : i32
    %add3A = arith.addi %mul3A_0, %arg1 : i32
    %mul3A_1 = arith.constant 640 : i32
    %mul3A_2 = arith.muli %arg1, %mul3A_1 : i32
    "tpu.region"() ({
      %run_scoped3A = tpu.sem_alloc : memref<!tpu.dma_semaphore, #tpu.memory_space<semaphore_mem>>
      %dma_start3A = arith.constant 0 : i32
      %dma_start3A_15 = tpu.memref_slice %arg10[%mul3A_2, %dma_start3A] : memref<10240x128xf32, #tpu.memory_space<vmem_shared>> -> memref<640x128xf32, #tpu.memory_space<vmem_shared>>
      tpu.enqueue_dma source(%arg5 : memref<640x128xf32, #tpu.memory_space<hbm>>) target(%dma_start3A_15 : memref<640x128xf32, #tpu.memory_space<vmem_shared>>) target_semaphore(%run_scoped3A : memref<!tpu.dma_semaphore, #tpu.memory_space<semaphore_mem>>)
      %dma_wait3A = arith.constant 0 : i32
      %dma_wait3A_16 = tpu.memref_slice %arg10[%mul3A_2, %dma_wait3A] : memref<10240x128xf32, #tpu.memory_space<vmem_shared>> -> memref<640x128xf32, #tpu.memory_space<vmem_shared>>
      tpu.wait_dma2 semaphore(%run_scoped3A : memref<!tpu.dma_semaphore, #tpu.memory_space<semaphore_mem>>) src(%arg5 : memref<640x128xf32, #tpu.memory_space<hbm>>) dst(%dma_wait3A_16 : memref<640x128xf32, #tpu.memory_space<vmem_shared>>)
      tpu.yield
    }) : () -> ()
    "tpu.region"() ({
      %run_scoped3A = tpu.sem_alloc : memref<!tpu.dma_semaphore, #tpu.memory_space<semaphore_mem>>
      %dma_start3A = arith.constant 0 : i32
      %dma_start3A_15 = arith.constant 0 : i32
      %dma_start3A_16 = tpu.memref_slice %arg3[%add3A, %dma_start3A, %dma_start3A_15] : memref<32x40x128xi32, #tpu.memory_space<hbm>> -> memref<1x40x128xi32, #tpu.memory_space<hbm>>
      %dma_start3A_17 = tpu.memref_squeeze %dma_start3A_16 : memref<1x40x128xi32, #tpu.memory_space<hbm>> -> memref<40x128xi32, #tpu.memory_space<hbm>>
      %dma_start3A_18 = arith.constant 0 : i32
      %dma_start3A_19 = arith.constant 0 : i32
      %dma_start3A_20 = tpu.memref_slice %arg3[%add3A, %dma_start3A_18, %dma_start3A_19] : memref<32x40x128xi32, #tpu.memory_space<hbm>> -> memref<1x40x128xi32, #tpu.memory_space<hbm>>
      %dma_start3A_21 = tpu.memref_squeeze %dma_start3A_20 : memref<1x40x128xi32, #tpu.memory_space<hbm>> -> memref<40x128xi32, #tpu.memory_space<hbm>>
      tpu.enqueue_dma source(%dma_start3A_21 : memref<40x128xi32, #tpu.memory_space<hbm>>) target(%arg7 : memref<40x128xi32, #tpu.memory_space<vmem>>) target_semaphore(%run_scoped3A : memref<!tpu.dma_semaphore, #tpu.memory_space<semaphore_mem>>)
      %dma_wait3A = arith.constant 0 : i32
      %dma_wait3A_22 = arith.constant 0 : i32
      %dma_wait3A_23 = tpu.memref_slice %arg3[%add3A, %dma_wait3A, %dma_wait3A_22] : memref<32x40x128xi32, #tpu.memory_space<hbm>> -> memref<1x40x128xi32, #tpu.memory_space<hbm>>
      %dma_wait3A_24 = tpu.memref_squeeze %dma_wait3A_23 : memref<1x40x128xi32, #tpu.memory_space<hbm>> -> memref<40x128xi32, #tpu.memory_space<hbm>>
      %dma_wait3A_25 = arith.constant 0 : i32
      %dma_wait3A_26 = arith.constant 0 : i32
      %dma_wait3A_27 = tpu.memref_slice %arg3[%add3A, %dma_wait3A_25, %dma_wait3A_26] : memref<32x40x128xi32, #tpu.memory_space<hbm>> -> memref<1x40x128xi32, #tpu.memory_space<hbm>>
      %dma_wait3A_28 = tpu.memref_squeeze %dma_wait3A_27 : memref<1x40x128xi32, #tpu.memory_space<hbm>> -> memref<40x128xi32, #tpu.memory_space<hbm>>
      tpu.wait_dma2 semaphore(%run_scoped3A : memref<!tpu.dma_semaphore, #tpu.memory_space<semaphore_mem>>) src(%dma_wait3A_28 : memref<40x128xi32, #tpu.memory_space<hbm>>) dst(%arg7 : memref<40x128xi32, #tpu.memory_space<vmem>>)
      tpu.yield
    }) : () -> ()
    "tpu.region"() ({
      %run_scoped3A = tpu.sem_alloc : memref<!tpu.dma_semaphore, #tpu.memory_space<semaphore_mem>>
      %dma_start3A = arith.constant 0 : i32
      %dma_start3A_15 = arith.constant 0 : i32
      %dma_start3A_16 = tpu.memref_slice %arg4[%add3A, %dma_start3A, %dma_start3A_15] : memref<32x40x128xi32, #tpu.memory_space<hbm>> -> memref<1x40x128xi32, #tpu.memory_space<hbm>>
      %dma_start3A_17 = tpu.memref_squeeze %dma_start3A_16 : memref<1x40x128xi32, #tpu.memory_space<hbm>> -> memref<40x128xi32, #tpu.memory_space<hbm>>
      %dma_start3A_18 = arith.constant 0 : i32
      %dma_start3A_19 = arith.constant 0 : i32
      %dma_start3A_20 = tpu.memref_slice %arg4[%add3A, %dma_start3A_18, %dma_start3A_19] : memref<32x40x128xi32, #tpu.memory_space<hbm>> -> memref<1x40x128xi32, #tpu.memory_space<hbm>>
      %dma_start3A_21 = tpu.memref_squeeze %dma_start3A_20 : memref<1x40x128xi32, #tpu.memory_space<hbm>> -> memref<40x128xi32, #tpu.memory_space<hbm>>
      tpu.enqueue_dma source(%dma_start3A_21 : memref<40x128xi32, #tpu.memory_space<hbm>>) target(%arg8 : memref<40x128xi32, #tpu.memory_space<vmem>>) target_semaphore(%run_scoped3A : memref<!tpu.dma_semaphore, #tpu.memory_space<semaphore_mem>>)
      %dma_wait3A = arith.constant 0 : i32
      %dma_wait3A_22 = arith.constant 0 : i32
      %dma_wait3A_23 = tpu.memref_slice %arg4[%add3A, %dma_wait3A, %dma_wait3A_22] : memref<32x40x128xi32, #tpu.memory_space<hbm>> -> memref<1x40x128xi32, #tpu.memory_space<hbm>>
      %dma_wait3A_24 = tpu.memref_squeeze %dma_wait3A_23 : memref<1x40x128xi32, #tpu.memory_space<hbm>> -> memref<40x128xi32, #tpu.memory_space<hbm>>
      %dma_wait3A_25 = arith.constant 0 : i32
      %dma_wait3A_26 = arith.constant 0 : i32
      %dma_wait3A_27 = tpu.memref_slice %arg4[%add3A, %dma_wait3A_25, %dma_wait3A_26] : memref<32x40x128xi32, #tpu.memory_space<hbm>> -> memref<1x40x128xi32, #tpu.memory_space<hbm>>
      %dma_wait3A_28 = tpu.memref_squeeze %dma_wait3A_27 : memref<1x40x128xi32, #tpu.memory_space<hbm>> -> memref<40x128xi32, #tpu.memory_space<hbm>>
      tpu.wait_dma2 semaphore(%run_scoped3A : memref<!tpu.dma_semaphore, #tpu.memory_space<semaphore_mem>>) src(%dma_wait3A_28 : memref<40x128xi32, #tpu.memory_space<hbm>>) dst(%arg8 : memref<40x128xi32, #tpu.memory_space<vmem>>)
      tpu.yield
    }) : () -> ()
    %barrier3A = arith.constant 0 : index
    tpu.barrier barrier_id(%barrier3A)
    %scan3A = arith.constant 0 : i32
    %scan3A_3 = arith.constant 20 : i32
    %scan3A_4 = arith.addi %scan3A, %scan3A_3 : i32
    %scan3A_5 = arith.constant 1 : i32
    scf.for %scan3A_15 = %scan3A to %scan3A_4 step %scan3A_5  : i32 {
      %mul3A_16 = arith.constant 2 : i32
      %mul3A_17 = arith.muli %scan3A_15, %mul3A_16 : i32
      %add3A_18 = arith.constant 0 : i32
      %add3A_19 = arith.addi %add3A_18, %mul3A_17 : i32
      %dma_start3A = arith.constant 0 : i32
      %dma_start3A_20 = arith.constant 0 : i32
      %dma_start3A_21 = arith.constant 0 : i32
      %dma_start3A_22 = tpu.memref_slice %arg9[%dma_start3A, %dma_start3A_20, %dma_start3A_21] : memref<2x128x128xf32, #tpu.memory_space<vmem>> -> memref<1x128x128xf32, #tpu.memory_space<vmem>>
      %dma_start3A_23 = tpu.memref_squeeze %dma_start3A_22 : memref<1x128x128xf32, #tpu.memory_space<vmem>> -> memref<128x128xf32, #tpu.memory_space<vmem>>
      %dma_start3A_24 = arith.constant 0 : i32
      %dma_start3A_25 = tpu.memref_slice %arg7[%add3A_19, %dma_start3A_24] : memref<40x128xi32, #tpu.memory_space<vmem>> -> memref<1x128xi32, #tpu.memory_space<vmem>>
      %dma_start3A_26 = tpu.memref_squeeze %dma_start3A_25 : memref<1x128xi32, #tpu.memory_space<vmem>> -> memref<128xi32, #tpu.memory_space<vmem>>
      %dma_start3A_27 = arith.constant 0 : i32
      %dma_start3A_28 = arith.constant 0 : i32
      %dma_start3A_29 = tpu.memref_slice %arg2[%dma_start3A_27, %dma_start3A_28] : memref<10000x128xf32, #tpu.memory_space<hbm>> -> memref<10000x128xf32, #tpu.memory_space<hbm>>
      tpu.enqueue_indirect_dma source(%dma_start3A_29 : memref<10000x128xf32, #tpu.memory_space<hbm>>) target(%dma_start3A_23 : memref<128x128xf32, #tpu.memory_space<vmem>>) offsets(%dma_start3A_26 : memref<128xi32, #tpu.memory_space<vmem>>) semaphore(%arg11 : memref<!tpu.dma_semaphore, #tpu.memory_space<semaphore_mem>>)
      %add3A_30 = arith.constant 1 : i32
      %add3A_31 = arith.addi %add3A_19, %add3A_30 : i32
      %dma_start3A_32 = arith.constant 1 : i32
      %dma_start3A_33 = arith.constant 0 : i32
      %dma_start3A_34 = arith.constant 0 : i32
      %dma_start3A_35 = tpu.memref_slice %arg9[%dma_start3A_32, %dma_start3A_33, %dma_start3A_34] : memref<2x128x128xf32, #tpu.memory_space<vmem>> -> memref<1x128x128xf32, #tpu.memory_space<vmem>>
      %dma_start3A_36 = tpu.memref_squeeze %dma_start3A_35 : memref<1x128x128xf32, #tpu.memory_space<vmem>> -> memref<128x128xf32, #tpu.memory_space<vmem>>
      %dma_start3A_37 = arith.constant 0 : i32
      %dma_start3A_38 = tpu.memref_slice %arg7[%add3A_31, %dma_start3A_37] : memref<40x128xi32, #tpu.memory_space<vmem>> -> memref<1x128xi32, #tpu.memory_space<vmem>>
      %dma_start3A_39 = tpu.memref_squeeze %dma_start3A_38 : memref<1x128xi32, #tpu.memory_space<vmem>> -> memref<128xi32, #tpu.memory_space<vmem>>
      %dma_start3A_40 = arith.constant 0 : i32
      %dma_start3A_41 = arith.constant 0 : i32
      %dma_start3A_42 = tpu.memref_slice %arg2[%dma_start3A_40, %dma_start3A_41] : memref<10000x128xf32, #tpu.memory_space<hbm>> -> memref<10000x128xf32, #tpu.memory_space<hbm>>
      tpu.enqueue_indirect_dma source(%dma_start3A_42 : memref<10000x128xf32, #tpu.memory_space<hbm>>) target(%dma_start3A_36 : memref<128x128xf32, #tpu.memory_space<vmem>>) offsets(%dma_start3A_39 : memref<128xi32, #tpu.memory_space<vmem>>) semaphore(%arg11 : memref<!tpu.dma_semaphore, #tpu.memory_space<semaphore_mem>>)
      %dma_wait3A = arith.constant 0 : i32
      %dma_wait3A_43 = arith.constant 0 : i32
      %dma_wait3A_44 = arith.constant 0 : i32
      %dma_wait3A_45 = tpu.memref_slice %arg9[%dma_wait3A, %dma_wait3A_43, %dma_wait3A_44] : memref<2x128x128xf32, #tpu.memory_space<vmem>> -> memref<1x128x128xf32, #tpu.memory_space<vmem>>
      %dma_wait3A_46 = tpu.memref_squeeze %dma_wait3A_45 : memref<1x128x128xf32, #tpu.memory_space<vmem>> -> memref<128x128xf32, #tpu.memory_space<vmem>>
      %dma_wait3A_47 = arith.constant 0 : i32
      %dma_wait3A_48 = tpu.memref_slice %arg7[%add3A_19, %dma_wait3A_47] : memref<40x128xi32, #tpu.memory_space<vmem>> -> memref<1x128xi32, #tpu.memory_space<vmem>>
      %dma_wait3A_49 = tpu.memref_squeeze %dma_wait3A_48 : memref<1x128xi32, #tpu.memory_space<vmem>> -> memref<128xi32, #tpu.memory_space<vmem>>
      %dma_wait3A_50 = arith.constant 0 : i32
      %dma_wait3A_51 = arith.constant 0 : i32
      %dma_wait3A_52 = tpu.memref_slice %arg2[%dma_wait3A_50, %dma_wait3A_51] : memref<10000x128xf32, #tpu.memory_space<hbm>> -> memref<10000x128xf32, #tpu.memory_space<hbm>>
      tpu.wait_indirect_dma semaphore(%arg11 : memref<!tpu.dma_semaphore, #tpu.memory_space<semaphore_mem>>) src(%dma_wait3A_52 : memref<10000x128xf32, #tpu.memory_space<hbm>>) dst(%dma_wait3A_46 : memref<128x128xf32, #tpu.memory_space<vmem>>)
      %dma_wait3A_53 = arith.constant 1 : i32
      %dma_wait3A_54 = arith.constant 0 : i32
      %dma_wait3A_55 = arith.constant 0 : i32
      %dma_wait3A_56 = tpu.memref_slice %arg9[%dma_wait3A_53, %dma_wait3A_54, %dma_wait3A_55] : memref<2x128x128xf32, #tpu.memory_space<vmem>> -> memref<1x128x128xf32, #tpu.memory_space<vmem>>
      %dma_wait3A_57 = tpu.memref_squeeze %dma_wait3A_56 : memref<1x128x128xf32, #tpu.memory_space<vmem>> -> memref<128x128xf32, #tpu.memory_space<vmem>>
      %dma_wait3A_58 = arith.constant 0 : i32
      %dma_wait3A_59 = tpu.memref_slice %arg7[%add3A_31, %dma_wait3A_58] : memref<40x128xi32, #tpu.memory_space<vmem>> -> memref<1x128xi32, #tpu.memory_space<vmem>>
      %dma_wait3A_60 = tpu.memref_squeeze %dma_wait3A_59 : memref<1x128xi32, #tpu.memory_space<vmem>> -> memref<128xi32, #tpu.memory_space<vmem>>
      %dma_wait3A_61 = arith.constant 0 : i32
      %dma_wait3A_62 = arith.constant 0 : i32
      %dma_wait3A_63 = tpu.memref_slice %arg2[%dma_wait3A_61, %dma_wait3A_62] : memref<10000x128xf32, #tpu.memory_space<hbm>> -> memref<10000x128xf32, #tpu.memory_space<hbm>>
      tpu.wait_indirect_dma semaphore(%arg11 : memref<!tpu.dma_semaphore, #tpu.memory_space<semaphore_mem>>) src(%dma_wait3A_63 : memref<10000x128xf32, #tpu.memory_space<hbm>>) dst(%dma_wait3A_57 : memref<128x128xf32, #tpu.memory_space<vmem>>)
      %run_scoped3A = arith.constant 0 : i32
      "tpu.region"() ({
        %run_scoped3A_67 = tpu.sem_alloc : memref<!tpu.dma_semaphore, #tpu.memory_space<semaphore_mem>>
        %dma_start3A_68 = arith.constant 0 : i32
        %dma_start3A_69 = arith.constant 0 : i32
        %dma_start3A_70 = tpu.memref_slice %arg9[%run_scoped3A, %dma_start3A_68, %dma_start3A_69] : memref<2x128x128xf32, #tpu.memory_space<vmem>> -> memref<1x128x128xf32, #tpu.memory_space<vmem>>
        %dma_start3A_71 = tpu.memref_squeeze %dma_start3A_70 : memref<1x128x128xf32, #tpu.memory_space<vmem>> -> memref<128x128xf32, #tpu.memory_space<vmem>>
        %dma_start3A_72 = arith.constant 0 : i32
        %dma_start3A_73 = tpu.memref_slice %arg8[%add3A_19, %dma_start3A_72] : memref<40x128xi32, #tpu.memory_space<vmem>> -> memref<1x128xi32, #tpu.memory_space<vmem>>
        %dma_start3A_74 = tpu.memref_squeeze %dma_start3A_73 : memref<1x128xi32, #tpu.memory_space<vmem>> -> memref<128xi32, #tpu.memory_space<vmem>>
        %dma_start3A_75 = arith.constant 0 : i32
        %dma_start3A_76 = arith.constant 0 : i32
        %dma_start3A_77 = tpu.memref_slice %arg10[%dma_start3A_75, %dma_start3A_76] : memref<10240x128xf32, #tpu.memory_space<vmem_shared>> -> memref<10240x128xf32, #tpu.memory_space<vmem_shared>>
        tpu.enqueue_indirect_dma source(%dma_start3A_71 : memref<128x128xf32, #tpu.memory_space<vmem>>) target(%dma_start3A_77 : memref<10240x128xf32, #tpu.memory_space<vmem_shared>>) offsets(%dma_start3A_74 : memref<128xi32, #tpu.memory_space<vmem>>) semaphore(%run_scoped3A_67 : memref<!tpu.dma_semaphore, #tpu.memory_space<semaphore_mem>>) {add = true}
        %dma_wait3A_78 = arith.constant 0 : i32
        %dma_wait3A_79 = arith.constant 0 : i32
        %dma_wait3A_80 = tpu.memref_slice %arg9[%run_scoped3A, %dma_wait3A_78, %dma_wait3A_79] : memref<2x128x128xf32, #tpu.memory_space<vmem>> -> memref<1x128x128xf32, #tpu.memory_space<vmem>>
        %dma_wait3A_81 = tpu.memref_squeeze %dma_wait3A_80 : memref<1x128x128xf32, #tpu.memory_space<vmem>> -> memref<128x128xf32, #tpu.memory_space<vmem>>
        %dma_wait3A_82 = arith.constant 0 : i32
        %dma_wait3A_83 = tpu.memref_slice %arg8[%add3A_19, %dma_wait3A_82] : memref<40x128xi32, #tpu.memory_space<vmem>> -> memref<1x128xi32, #tpu.memory_space<vmem>>
        %dma_wait3A_84 = tpu.memref_squeeze %dma_wait3A_83 : memref<1x128xi32, #tpu.memory_space<vmem>> -> memref<128xi32, #tpu.memory_space<vmem>>
        %dma_wait3A_85 = arith.constant 0 : i32
        %dma_wait3A_86 = arith.constant 0 : i32
        %dma_wait3A_87 = tpu.memref_slice %arg10[%dma_wait3A_85, %dma_wait3A_86] : memref<10240x128xf32, #tpu.memory_space<vmem_shared>> -> memref<10240x128xf32, #tpu.memory_space<vmem_shared>>
        tpu.wait_indirect_dma semaphore(%run_scoped3A_67 : memref<!tpu.dma_semaphore, #tpu.memory_space<semaphore_mem>>) src(%dma_wait3A_81 : memref<128x128xf32, #tpu.memory_space<vmem>>) dst(%dma_wait3A_87 : memref<10240x128xf32, #tpu.memory_space<vmem_shared>>)
        tpu.yield
      }) : () -> ()
      %add3A_64 = arith.constant 1 : i32
      %add3A_65 = arith.addi %add3A_19, %add3A_64 : i32
      %run_scoped3A_66 = arith.constant 1 : i32
      "tpu.region"() ({
        %run_scoped3A_67 = tpu.sem_alloc : memref<!tpu.dma_semaphore, #tpu.memory_space<semaphore_mem>>
        %dma_start3A_68 = arith.constant 0 : i32
        %dma_start3A_69 = arith.constant 0 : i32
        %dma_start3A_70 = tpu.memref_slice %arg9[%run_scoped3A_66, %dma_start3A_68, %dma_start3A_69] : memref<2x128x128xf32, #tpu.memory_space<vmem>> -> memref<1x128x128xf32, #tpu.memory_space<vmem>>
        %dma_start3A_71 = tpu.memref_squeeze %dma_start3A_70 : memref<1x128x128xf32, #tpu.memory_space<vmem>> -> memref<128x128xf32, #tpu.memory_space<vmem>>
        %dma_start3A_72 = arith.constant 0 : i32
        %dma_start3A_73 = tpu.memref_slice %arg8[%add3A_65, %dma_start3A_72] : memref<40x128xi32, #tpu.memory_space<vmem>> -> memref<1x128xi32, #tpu.memory_space<vmem>>
        %dma_start3A_74 = tpu.memref_squeeze %dma_start3A_73 : memref<1x128xi32, #tpu.memory_space<vmem>> -> memref<128xi32, #tpu.memory_space<vmem>>
        %dma_start3A_75 = arith.constant 0 : i32
        %dma_start3A_76 = arith.constant 0 : i32
        %dma_start3A_77 = tpu.memref_slice %arg10[%dma_start3A_75, %dma_start3A_76] : memref<10240x128xf32, #tpu.memory_space<vmem_shared>> -> memref<10240x128xf32, #tpu.memory_space<vmem_shared>>
        tpu.enqueue_indirect_dma source(%dma_start3A_71 : memref<128x128xf32, #tpu.memory_space<vmem>>) target(%dma_start3A_77 : memref<10240x128xf32, #tpu.memory_space<vmem_shared>>) offsets(%dma_start3A_74 : memref<128xi32, #tpu.memory_space<vmem>>) semaphore(%run_scoped3A_67 : memref<!tpu.dma_semaphore, #tpu.memory_space<semaphore_mem>>) {add = true}
        %dma_wait3A_78 = arith.constant 0 : i32
        %dma_wait3A_79 = arith.constant 0 : i32
        %dma_wait3A_80 = tpu.memref_slice %arg9[%run_scoped3A_66, %dma_wait3A_78, %dma_wait3A_79] : memref<2x128x128xf32, #tpu.memory_space<vmem>> -> memref<1x128x128xf32, #tpu.memory_space<vmem>>
        %dma_wait3A_81 = tpu.memref_squeeze %dma_wait3A_80 : memref<1x128x128xf32, #tpu.memory_space<vmem>> -> memref<128x128xf32, #tpu.memory_space<vmem>>
        %dma_wait3A_82 = arith.constant 0 : i32
        %dma_wait3A_83 = tpu.memref_slice %arg8[%add3A_65, %dma_wait3A_82] : memref<40x128xi32, #tpu.memory_space<vmem>> -> memref<1x128xi32, #tpu.memory_space<vmem>>
        %dma_wait3A_84 = tpu.memref_squeeze %dma_wait3A_83 : memref<1x128xi32, #tpu.memory_space<vmem>> -> memref<128xi32, #tpu.memory_space<vmem>>
        %dma_wait3A_85 = arith.constant 0 : i32
        %dma_wait3A_86 = arith.constant 0 : i32
        %dma_wait3A_87 = tpu.memref_slice %arg10[%dma_wait3A_85, %dma_wait3A_86] : memref<10240x128xf32, #tpu.memory_space<vmem_shared>> -> memref<10240x128xf32, #tpu.memory_space<vmem_shared>>
        tpu.wait_indirect_dma semaphore(%run_scoped3A_67 : memref<!tpu.dma_semaphore, #tpu.memory_space<semaphore_mem>>) src(%dma_wait3A_81 : memref<128x128xf32, #tpu.memory_space<vmem>>) dst(%dma_wait3A_87 : memref<10240x128xf32, #tpu.memory_space<vmem_shared>>)
        tpu.yield
      }) : () -> ()
    }
    %scan3A_6 = arith.constant 20 : i32
    %barrier3A_7 = arith.constant 0 : index
    tpu.barrier barrier_id(%barrier3A_7)
    %mul3A_8 = arith.constant 640 : i32
    %mul3A_9 = arith.muli %arg1, %mul3A_8 : i32
    %mul3A_10 = arith.constant 10240 : i32
    %mul3A_11 = arith.muli %arg0, %mul3A_10 : i32
    %mul3A_12 = arith.constant 640 : i32
    %mul3A_13 = arith.muli %arg1, %mul3A_12 : i32
    %add3A_14 = arith.addi %mul3A_11, %mul3A_13 : i32
    "tpu.region"() ({
      %run_scoped3A = tpu.sem_alloc : memref<!tpu.dma_semaphore, #tpu.memory_space<semaphore_mem>>
      %dma_start3A = arith.constant 0 : i32
      %dma_start3A_15 = tpu.memref_slice %arg6[%add3A_14, %dma_start3A] : memref<20480x128xf32, #tpu.memory_space<hbm>> -> memref<640x128xf32, #tpu.memory_space<hbm>>
      %dma_start3A_16 = arith.constant 0 : i32
      %dma_start3A_17 = tpu.memref_slice %arg10[%mul3A_9, %dma_start3A_16] : memref<10240x128xf32, #tpu.memory_space<vmem_shared>> -> memref<640x128xf32, #tpu.memory_space<vmem_shared>>
      tpu.enqueue_dma source(%dma_start3A_17 : memref<640x128xf32, #tpu.memory_space<vmem_shared>>) target(%dma_start3A_15 : memref<640x128xf32, #tpu.memory_space<hbm>>) target_semaphore(%run_scoped3A : memref<!tpu.dma_semaphore, #tpu.memory_space<semaphore_mem>>)
      %dma_wait3A = arith.constant 0 : i32
      %dma_wait3A_18 = tpu.memref_slice %arg6[%add3A_14, %dma_wait3A] : memref<20480x128xf32, #tpu.memory_space<hbm>> -> memref<640x128xf32, #tpu.memory_space<hbm>>
      %dma_wait3A_19 = arith.constant 0 : i32
      %dma_wait3A_20 = tpu.memref_slice %arg10[%mul3A_9, %dma_wait3A_19] : memref<10240x128xf32, #tpu.memory_space<vmem_shared>> -> memref<640x128xf32, #tpu.memory_space<vmem_shared>>
      tpu.wait_dma2 semaphore(%run_scoped3A : memref<!tpu.dma_semaphore, #tpu.memory_space<semaphore_mem>>) src(%dma_wait3A_20 : memref<640x128xf32, #tpu.memory_space<vmem_shared>>) dst(%dma_wait3A_18 : memref<640x128xf32, #tpu.memory_space<hbm>>)
      tpu.yield
    }) : () -> ()
    return
  }
}

module attributes {stable_mosaic.version = 14 : i64} {
  func.func @_mm1_body(%arg0: i32, %arg1: memref<400x256xf32, #tpu.memory_space<vmem>>, %arg2: memref<256x128xf32, #tpu.memory_space<vmem>>, %arg3: memref<2x400x16xf32, #tpu.memory_space<vmem>>, %arg4: memref<400x128xf32, #tpu.memory_space<vmem>>) attributes {dimension_semantics = [#tpu.dimension_semantics<arbitrary>], iteration_bounds = array<i64: 25>, scalar_prefetch = 0 : i64, scratch_operands = 0 : i64, tpu.core_type = #tpu.core_type<tc>, window_params = [{transform_indices = @transform_0, window_bounds = array<i64: 400, 256>}, {pipeline_mode = #tpu.pipeline_mode<synchronous>, transform_indices = @transform_1, window_bounds = array<i64: 256, 128>}, {transform_indices = @transform_2, window_bounds = array<i64: 2, 400, 16>}, {transform_indices = @transform_3, window_bounds = array<i64: 400, 128>}]} {
    %get3A = arith.constant 0 : index
    %get3A_0 = arith.constant 0 : index
    %get3A_1 = arith.constant 0 : index
    %get3A_2 = vector.load %arg3[%get3A, %get3A_0, %get3A_1] : memref<2x400x16xf32, #tpu.memory_space<vmem>>, vector<1x400x16xf32>
    %get3A_3 = vector.shape_cast %get3A_2 : vector<1x400x16xf32> to vector<400x16xf32>
    %get3A_4 = arith.constant 1 : index
    %get3A_5 = arith.constant 0 : index
    %get3A_6 = arith.constant 0 : index
    %get3A_7 = vector.load %arg3[%get3A_4, %get3A_5, %get3A_6] : memref<2x400x16xf32, #tpu.memory_space<vmem>>, vector<1x400x16xf32>
    %get3A_8 = vector.shape_cast %get3A_7 : vector<1x400x16xf32> to vector<400x16xf32>
    %add3A = arith.addf %get3A_3, %get3A_8 : vector<400x16xf32>
    %add3A_9 = arith.constant 1.000000e+00 : f32
    %add3A_10 = vector.broadcast %add3A_9 : f32 to vector<400x16xf32>
    %add3A_11 = arith.addf %add3A, %add3A_10 : vector<400x16xf32>
    %slice3A = vector.extract_strided_slice %add3A_11 {offsets = [0, 0], sizes = [400, 1], strides = [1, 1]} : vector<400x16xf32> to vector<400x1xf32>
    %rsqrt3A = math.rsqrt %slice3A : vector<400x1xf32>
    %get3A_12 = arith.constant 0 : index
    %get3A_13 = arith.constant 0 : index
    %get3A_14 = vector.load %arg1[%get3A_12, %get3A_13] : memref<400x256xf32, #tpu.memory_space<vmem>>, vector<400x256xf32>
    %get3A_15 = arith.constant 0 : index
    %get3A_16 = arith.constant 0 : index
    %get3A_17 = vector.load %arg2[%get3A_15, %get3A_16] : memref<256x128xf32, #tpu.memory_space<vmem>>, vector<256x128xf32>
    %dot_general3A = arith.constant dense<0.000000e+00> : vector<400x128xf32>
    %dot_general3A_18 = tpu.matmul %get3A_14, %get3A_17, %dot_general3A {dimension_numbers = #tpu.dot_dimension_numbers<[1], [0], [0], [1], [0, 0, 1, 1], [], []>, transpose_lhs_hint = false} : vector<400x256xf32>, vector<256x128xf32>, vector<400x128xf32> -> vector<400x128xf32>
    %mul3A = vector.broadcast %rsqrt3A : vector<400x1xf32> to vector<400x128xf32>
    %mul3A_19 = arith.mulf %dot_general3A_18, %mul3A : vector<400x128xf32>
    %swap3A = arith.constant 0 : index
    %swap3A_20 = arith.constant 0 : index
    %swap3A_21 = vector.load %arg4[%swap3A, %swap3A_20] : memref<400x128xf32, #tpu.memory_space<vmem>>, vector<400x128xf32>
    tpu.vector_store %arg4[%swap3A, %swap3A_20], %mul3A_19 {strides = array<i32>} : memref<400x128xf32, #tpu.memory_space<vmem>>, vector<400x128xf32>,
    return
  }
  func.func @transform_0(%arg0: i32) -> (i32, i32) {
    %c0_i32 = arith.constant 0 : i32
    %c0_i32_0 = arith.constant 0 : i32
    return %arg0, %c0_i32 : i32, i32
  }
  func.func @transform_1(%arg0: i32) -> (i32, i32) {
    %c0_i32 = arith.constant 0 : i32
    %c0_i32_0 = arith.constant 0 : i32
    %c0_i32_1 = arith.constant 0 : i32
    return %c0_i32, %c0_i32_0 : i32, i32
  }
  func.func @transform_2(%arg0: i32) -> (i32, i32, i32) {
    %c0_i32 = arith.constant 0 : i32
    %c0_i32_0 = arith.constant 0 : i32
    %c0_i32_1 = arith.constant 0 : i32
    return %c0_i32, %arg0, %c0_i32_0 : i32, i32, i32
  }
  func.func @transform_3(%arg0: i32) -> (i32, i32) {
    %c0_i32 = arith.constant 0 : i32
    %c0_i32_0 = arith.constant 0 : i32
    return %arg0, %c0_i32 : i32, i32
  }
}

module attributes {stable_mosaic.version = 14 : i64} {
  func.func @_mm2_body(%arg0: i32, %arg1: memref<2x400x128xf32, #tpu.memory_space<vmem>>, %arg2: memref<400x128xf32, #tpu.memory_space<vmem>>, %arg3: memref<2x400x16xf32, #tpu.memory_space<vmem>>, %arg4: memref<1x128xf32, #tpu.memory_space<vmem>>, %arg5: memref<128x128xf32, #tpu.memory_space<vmem>>, %arg6: memref<400x128xf32, #tpu.memory_space<vmem>>) attributes {dimension_semantics = [#tpu.dimension_semantics<arbitrary>], iteration_bounds = array<i64: 25>, scalar_prefetch = 0 : i64, scratch_operands = 0 : i64, tpu.core_type = #tpu.core_type<tc>, window_params = [{transform_indices = @transform_0, window_bounds = array<i64: 2, 400, 128>}, {transform_indices = @transform_1, window_bounds = array<i64: 400, 128>}, {transform_indices = @transform_2, window_bounds = array<i64: 2, 400, 16>}, {pipeline_mode = #tpu.pipeline_mode<synchronous>, transform_indices = @transform_3, window_bounds = array<i64: 1, 128>}, {pipeline_mode = #tpu.pipeline_mode<synchronous>, transform_indices = @transform_4, window_bounds = array<i64: 128, 128>}, {transform_indices = @transform_5, window_bounds = array<i64: 400, 128>}]} {
    %get3A = arith.constant 0 : index
    %get3A_0 = arith.constant 0 : index
    %get3A_1 = arith.constant 0 : index
    %get3A_2 = vector.load %arg3[%get3A, %get3A_0, %get3A_1] : memref<2x400x16xf32, #tpu.memory_space<vmem>>, vector<1x400x16xf32>
    %get3A_3 = vector.shape_cast %get3A_2 : vector<1x400x16xf32> to vector<400x16xf32>
    %get3A_4 = arith.constant 1 : index
    %get3A_5 = arith.constant 0 : index
    %get3A_6 = arith.constant 0 : index
    %get3A_7 = vector.load %arg3[%get3A_4, %get3A_5, %get3A_6] : memref<2x400x16xf32, #tpu.memory_space<vmem>>, vector<1x400x16xf32>
    %get3A_8 = vector.shape_cast %get3A_7 : vector<1x400x16xf32> to vector<400x16xf32>
    %add3A = arith.addf %get3A_3, %get3A_8 : vector<400x16xf32>
    %add3A_9 = arith.constant 1.000000e+00 : f32
    %add3A_10 = vector.broadcast %add3A_9 : f32 to vector<400x16xf32>
    %add3A_11 = arith.addf %add3A, %add3A_10 : vector<400x16xf32>
    %slice3A = vector.extract_strided_slice %add3A_11 {offsets = [0, 0], sizes = [400, 1], strides = [1, 1]} : vector<400x16xf32> to vector<400x1xf32>
    %rsqrt3A = math.rsqrt %slice3A : vector<400x1xf32>
    %get3A_12 = arith.constant 0 : index
    %get3A_13 = arith.constant 0 : index
    %get3A_14 = arith.constant 0 : index
    %get3A_15 = vector.load %arg1[%get3A_12, %get3A_13, %get3A_14] : memref<2x400x128xf32, #tpu.memory_space<vmem>>, vector<1x400x128xf32>
    %get3A_16 = vector.shape_cast %get3A_15 : vector<1x400x128xf32> to vector<400x128xf32>
    %get3A_17 = arith.constant 1 : index
    %get3A_18 = arith.constant 0 : index
    %get3A_19 = arith.constant 0 : index
    %get3A_20 = vector.load %arg1[%get3A_17, %get3A_18, %get3A_19] : memref<2x400x128xf32, #tpu.memory_space<vmem>>, vector<1x400x128xf32>
    %get3A_21 = vector.shape_cast %get3A_20 : vector<1x400x128xf32> to vector<400x128xf32>
    %add3A_22 = arith.addf %get3A_16, %get3A_21 : vector<400x128xf32>
    %get3A_23 = arith.constant 0 : index
    %get3A_24 = arith.constant 0 : index
    %get3A_25 = vector.load %arg2[%get3A_23, %get3A_24] : memref<400x128xf32, #tpu.memory_space<vmem>>, vector<400x128xf32>
    %add3A_26 = arith.addf %add3A_22, %get3A_25 : vector<400x128xf32>
    %mul3A = vector.broadcast %rsqrt3A : vector<400x1xf32> to vector<400x128xf32>
    %mul3A_27 = arith.mulf %mul3A, %add3A_26 : vector<400x128xf32>
    %get3A_28 = arith.constant 0 : index
    %get3A_29 = arith.constant 0 : index
    %get3A_30 = vector.load %arg4[%get3A_28, %get3A_29] : memref<1x128xf32, #tpu.memory_space<vmem>>, vector<1x128xf32>
    %add3A_31 = vector.broadcast %get3A_30 : vector<1x128xf32> to vector<400x128xf32>
    %add3A_32 = arith.addf %mul3A_27, %add3A_31 : vector<400x128xf32>
    %max3A = arith.constant 0.000000e+00 : f32
    %max3A_33 = vector.broadcast %max3A : f32 to vector<400x128xf32>
    %max3A_34 = arith.maximumf %add3A_32, %max3A_33 : vector<400x128xf32>
    %get3A_35 = arith.constant 0 : index
    %get3A_36 = arith.constant 0 : index
    %get3A_37 = vector.load %arg5[%get3A_35, %get3A_36] : memref<128x128xf32, #tpu.memory_space<vmem>>, vector<128x128xf32>
    %dot_general3A = arith.constant dense<0.000000e+00> : vector<400x128xf32>
    %dot_general3A_38 = tpu.matmul %max3A_34, %get3A_37, %dot_general3A {dimension_numbers = #tpu.dot_dimension_numbers<[1], [0], [0], [1], [0, 0, 1, 1], [], []>, transpose_lhs_hint = false} : vector<400x128xf32>, vector<128x128xf32>, vector<400x128xf32> -> vector<400x128xf32>
    %mul3A_39 = vector.broadcast %rsqrt3A : vector<400x1xf32> to vector<400x128xf32>
    %mul3A_40 = arith.mulf %dot_general3A_38, %mul3A_39 : vector<400x128xf32>
    %swap3A = arith.constant 0 : index
    %swap3A_41 = arith.constant 0 : index
    %swap3A_42 = vector.load %arg6[%swap3A, %swap3A_41] : memref<400x128xf32, #tpu.memory_space<vmem>>, vector<400x128xf32>
    tpu.vector_store %arg6[%swap3A, %swap3A_41], %mul3A_40 {strides = array<i32>} : memref<400x128xf32, #tpu.memory_space<vmem>>, vector<400x128xf32>,
    return
  }
  func.func @transform_0(%arg0: i32) -> (i32, i32, i32) {
    %c0_i32 = arith.constant 0 : i32
    %c0_i32_0 = arith.constant 0 : i32
    %c0_i32_1 = arith.constant 0 : i32
    return %c0_i32, %arg0, %c0_i32_0 : i32, i32, i32
  }
  func.func @transform_1(%arg0: i32) -> (i32, i32) {
    %c0_i32 = arith.constant 0 : i32
    %c0_i32_0 = arith.constant 0 : i32
    return %arg0, %c0_i32 : i32, i32
  }
  func.func @transform_2(%arg0: i32) -> (i32, i32, i32) {
    %c0_i32 = arith.constant 0 : i32
    %c0_i32_0 = arith.constant 0 : i32
    %c0_i32_1 = arith.constant 0 : i32
    return %c0_i32, %arg0, %c0_i32_0 : i32, i32, i32
  }
  func.func @transform_3(%arg0: i32) -> (i32, i32) {
    %c0_i32 = arith.constant 0 : i32
    %c0_i32_0 = arith.constant 0 : i32
    %c0_i32_1 = arith.constant 0 : i32
    return %c0_i32, %c0_i32_0 : i32, i32
  }
  func.func @transform_4(%arg0: i32) -> (i32, i32) {
    %c0_i32 = arith.constant 0 : i32
    %c0_i32_0 = arith.constant 0 : i32
    %c0_i32_1 = arith.constant 0 : i32
    return %c0_i32, %c0_i32_0 : i32, i32
  }
  func.func @transform_5(%arg0: i32) -> (i32, i32) {
    %c0_i32 = arith.constant 0 : i32
    %c0_i32_0 = arith.constant 0 : i32
    return %arg0, %c0_i32 : i32, i32
  }
}

module attributes {stable_mosaic.version = 14 : i64} {
  func.func @_fin_body(%arg0: i32, %arg1: memref<2x400x128xf32, #tpu.memory_space<vmem>>, %arg2: memref<400x128xf32, #tpu.memory_space<vmem>>, %arg3: memref<2x400x16xf32, #tpu.memory_space<vmem>>, %arg4: memref<1x128xf32, #tpu.memory_space<vmem>>, %arg5: memref<400x128xf32, #tpu.memory_space<vmem>>) attributes {dimension_semantics = [#tpu.dimension_semantics<arbitrary>], iteration_bounds = array<i64: 25>, scalar_prefetch = 0 : i64, scratch_operands = 0 : i64, tpu.core_type = #tpu.core_type<tc>, window_params = [{transform_indices = @transform_0, window_bounds = array<i64: 2, 400, 128>}, {transform_indices = @transform_1, window_bounds = array<i64: 400, 128>}, {transform_indices = @transform_2, window_bounds = array<i64: 2, 400, 16>}, {pipeline_mode = #tpu.pipeline_mode<synchronous>, transform_indices = @transform_3, window_bounds = array<i64: 1, 128>}, {transform_indices = @transform_4, window_bounds = array<i64: 400, 128>}]} {
    %get3A = arith.constant 0 : index
    %get3A_0 = arith.constant 0 : index
    %get3A_1 = arith.constant 0 : index
    %get3A_2 = vector.load %arg3[%get3A, %get3A_0, %get3A_1] : memref<2x400x16xf32, #tpu.memory_space<vmem>>, vector<1x400x16xf32>
    %get3A_3 = vector.shape_cast %get3A_2 : vector<1x400x16xf32> to vector<400x16xf32>
    %get3A_4 = arith.constant 1 : index
    %get3A_5 = arith.constant 0 : index
    %get3A_6 = arith.constant 0 : index
    %get3A_7 = vector.load %arg3[%get3A_4, %get3A_5, %get3A_6] : memref<2x400x16xf32, #tpu.memory_space<vmem>>, vector<1x400x16xf32>
    %get3A_8 = vector.shape_cast %get3A_7 : vector<1x400x16xf32> to vector<400x16xf32>
    %add3A = arith.addf %get3A_3, %get3A_8 : vector<400x16xf32>
    %add3A_9 = arith.constant 1.000000e+00 : f32
    %add3A_10 = vector.broadcast %add3A_9 : f32 to vector<400x16xf32>
    %add3A_11 = arith.addf %add3A, %add3A_10 : vector<400x16xf32>
    %slice3A = vector.extract_strided_slice %add3A_11 {offsets = [0, 0], sizes = [400, 1], strides = [1, 1]} : vector<400x16xf32> to vector<400x1xf32>
    %rsqrt3A = math.rsqrt %slice3A : vector<400x1xf32>
    %get3A_12 = arith.constant 0 : index
    %get3A_13 = arith.constant 0 : index
    %get3A_14 = arith.constant 0 : index
    %get3A_15 = vector.load %arg1[%get3A_12, %get3A_13, %get3A_14] : memref<2x400x128xf32, #tpu.memory_space<vmem>>, vector<1x400x128xf32>
    %get3A_16 = vector.shape_cast %get3A_15 : vector<1x400x128xf32> to vector<400x128xf32>
    %get3A_17 = arith.constant 1 : index
    %get3A_18 = arith.constant 0 : index
    %get3A_19 = arith.constant 0 : index
    %get3A_20 = vector.load %arg1[%get3A_17, %get3A_18, %get3A_19] : memref<2x400x128xf32, #tpu.memory_space<vmem>>, vector<1x400x128xf32>
    %get3A_21 = vector.shape_cast %get3A_20 : vector<1x400x128xf32> to vector<400x128xf32>
    %add3A_22 = arith.addf %get3A_16, %get3A_21 : vector<400x128xf32>
    %get3A_23 = arith.constant 0 : index
    %get3A_24 = arith.constant 0 : index
    %get3A_25 = vector.load %arg2[%get3A_23, %get3A_24] : memref<400x128xf32, #tpu.memory_space<vmem>>, vector<400x128xf32>
    %add3A_26 = arith.addf %add3A_22, %get3A_25 : vector<400x128xf32>
    %mul3A = vector.broadcast %rsqrt3A : vector<400x1xf32> to vector<400x128xf32>
    %mul3A_27 = arith.mulf %mul3A, %add3A_26 : vector<400x128xf32>
    %get3A_28 = arith.constant 0 : index
    %get3A_29 = arith.constant 0 : index
    %get3A_30 = vector.load %arg4[%get3A_28, %get3A_29] : memref<1x128xf32, #tpu.memory_space<vmem>>, vector<1x128xf32>
    %add3A_31 = vector.broadcast %get3A_30 : vector<1x128xf32> to vector<400x128xf32>
    %add3A_32 = arith.addf %mul3A_27, %add3A_31 : vector<400x128xf32>
    %swap3A = arith.constant 0 : index
    %swap3A_33 = arith.constant 0 : index
    %swap3A_34 = vector.load %arg5[%swap3A, %swap3A_33] : memref<400x128xf32, #tpu.memory_space<vmem>>, vector<400x128xf32>
    tpu.vector_store %arg5[%swap3A, %swap3A_33], %add3A_32 {strides = array<i32>} : memref<400x128xf32, #tpu.memory_space<vmem>>, vector<400x128xf32>,
    return
  }
  func.func @transform_0(%arg0: i32) -> (i32, i32, i32) {
    %c0_i32 = arith.constant 0 : i32
    %c0_i32_0 = arith.constant 0 : i32
    %c0_i32_1 = arith.constant 0 : i32
    return %c0_i32, %arg0, %c0_i32_0 : i32, i32, i32
  }
  func.func @transform_1(%arg0: i32) -> (i32, i32) {
    %c0_i32 = arith.constant 0 : i32
    %c0_i32_0 = arith.constant 0 : i32
    return %arg0, %c0_i32 : i32, i32
  }
  func.func @transform_2(%arg0: i32) -> (i32, i32, i32) {
    %c0_i32 = arith.constant 0 : i32
    %c0_i32_0 = arith.constant 0 : i32
    %c0_i32_1 = arith.constant 0 : i32
    return %c0_i32, %arg0, %c0_i32_0 : i32, i32, i32
  }
  func.func @transform_3(%arg0: i32) -> (i32, i32) {
    %c0_i32 = arith.constant 0 : i32
    %c0_i32_0 = arith.constant 0 : i32
    %c0_i32_1 = arith.constant 0 : i32
    return %c0_i32, %c0_i32_0 : i32, i32
  }
  func.func @transform_4(%arg0: i32) -> (i32, i32) {
    %c0_i32 = arith.constant 0 : i32
    %c0_i32_0 = arith.constant 0 : i32
    return %arg0, %c0_i32 : i32, i32
  }
}

</mosaic_0001>

<sc_bundles>
// kernel: _run.10.cloned.1.call-start
scs
__scs_entry_jumppad:
0x0: {  	(pc) =	sbr.rel $0x88, $3  }
0x1: {  	(tag) =	ssettag $0x0;
	lr =	simm.s32 $0x1  }
0x2: {  	[smem:$0x3F9B] =	sst lr;
	_ =	strace $0xD0000000  }
0x3: {  	_ = 	snop  }
0x4: {  	_ = 	snop  }
0x5: {  	_ = 	snop  }
0x6: {  	_ = 	snop  }
0x7: {  	_ = 	snop  }
__scs_overlays_trampoline_lowered:
0x8: {  	[smem:$0x3FAA] =	sst s0  }
0x9: {  	[smem:$0x3FAB] =	sst s1  }
0xa: {  	[smem:$0x3FAC] =	sst s2  }
0xb: {  	[smem:$0x3FAD] =	sst s3  }
0xc: {  	[smem:$0x3FAE] =	sst s4  }
0xd: {  	[smem:$0x3FAF] =	sst s5  }
0xe: {  	[smem:$0x3FB0] =	sst s6  }
0xf: {  	[smem:$0x3FB1] =	sst s7  }
0x10: {  	[smem:$0x3FB2] =	sst s8  }
0x11: {  	[smem:$0x3FB3] =	sst s9;
	s0 =	simm.s32 @!p0 $0x0  }
0x12: {  	s1 =	sld [smem:$0x3F99];
	s0 =	simm.s32 @p0 $0x1  }
0x13: {  	[smem:$0x3FB4] =	sst s0;
	s0 =	simm.s32 @!p1 $0x0  }
0x14: {  	s2 =	sld [smem:$0x3F98];
	s0 =	simm.s32 @p1 $0x1  }
0x15: {  	[smem:$0x3FB5] =	sst s0;
	s0 =	simm.s32 @!p2 $0x0  }
0x16: {  	s3 =	sld [smem:$0x3FDB];
	s0 =	simm.s32 @p2 $0x1  }
0x17: {  	s4 =	simm.s32 $0x1BF5;
	[smem:$0x3FB7] =	sst s0  }
0x18: {  	s0 =	sld [smem:$0x3F9A];
	_ =	swait.ge [sflag:s4], $0x0  }
0x19: {  	s7 =	sld [smem:$0x3F9B]  }
0x1a: {  	s8 =	sadd.s32 $0xFFFFE003, lr  }
0x1b: {  	s9 =	sadd.s32 $0xFFFFFEF7, lr;
	s5 =	simm.s32 $0xFFFFFFFF;
	p2 =	slt.u32 s8, $0xFFFFF086  }
0x1c: {  	p1 =	slt.u32 s9, $0xF7A;
	s5 =	simm.s32 @!p2 $0x0  }
0x1d: {  	s5 =	simm.s32 @p1 $0x1;
	p0 =	seq.s32 s7, s2  }
0x1e: {  	s7 =	smul.u32 @!p0 $0xF7A, s2;
	p2 =	seq.s32 @!p0 s5, $0x0  }
0x1f: {  	s9 =	smul.u32 $0xF7A, s1;
	s8 =	simm.s32 @!p0 $0x1BF5;
	p2 =	por !p2, p0  }
0x20: {  	[sflag:s8] =	ssyncset.s32 @!p0 $0xFFFFF086;
	s6 =	sadd.s32 @!p0 s3, s7;
	s7 =	simm.s32 @!p0 $0x108  }
0x21: {  	s3 =	sadd.s32 s3, s9;
	s6 =	sadd.s32 @!p0 $0x88, s6;
	s7 =	simm.s32 @p2 $0x1082  }
0x22: {  	[simem:s7], [sflag:s8] =	dma.local @!p0 [hbm:s6], $0xF7A  }
0x23: {  	s9 =	sor.u32 $0xD0000000, s2;
	s6 =	simm.s32 $0x108;
	_ =	swait.ge @!p0 [sflag:s8], $0x0  }
0x24: {  	s3 =	sadd.s32 $0x88, s3;
	s6 =	simm.s32 @!p1 $0x1082;
	[sflag:s4] =	ssyncset.s32 $0xFFFFF086  }
0x25: {  	[simem:s6], [sflag:s4] =	dma.local [hbm:s3], $0xF7A  }
0x26: {  	[smem:$0x3F9B] =	sst s1;
	(tag) =	ssettag s2;
	_ =	strace s9  }
0x27: {  	s1 =	sld [smem:$0x3FAB]  }
0x28: {  	s2 =	sld [smem:$0x3FAC]  }
0x29: {  	s4 =	sld [smem:$0x3FAE]  }
0x2a: {  	p0 =	seq.s32 s5, $0x0;
	s5 =	sld [smem:$0x3FAF]  }
0x2b: {  	s6 =	sld [smem:$0x3FB0]  }
0x2c: {  	s7 =	sld [smem:$0x3FB1]  }
0x2d: {  	s3 =	simm.s32 $0x108;
	s8 =	sld [smem:$0x3FB2]  }
0x2e: {  	s3 =	simm.s32 @!p0 $0x1082;
	s9 =	sld [smem:$0x3FB3]  }
0x2f: {  	lr =	sadd.s32 s0, s3;
	s0 =	sld [smem:$0x3FAA]  }
0x30: {  	s3 =	sld [smem:$0x3FAD]  }
0x31: {  	[smem:$0x3FB6] =	sst s10  }
0x32: {  	s10 =	sld [smem:$0x3FB4];
	_ =	sdelay $0x3  }
0x33: {  	p0 =	seq.s32 s10, $0x1;
	s10 =	sld [smem:$0x3FB6];
	_ =	sdelay $0x3  }
0x34: {  	[smem:$0x3FB6] =	sst s10  }
0x35: {  	s10 =	sld [smem:$0x3FB5];
	_ =	sdelay $0x3  }
0x36: {  	p1 =	seq.s32 s10, $0x1;
	s10 =	sld [smem:$0x3FB6];
	_ =	sdelay $0x3  }
0x37: {  	[smem:$0x3FB6] =	sst s10  }
0x38: {  	s10 =	sld [smem:$0x3FB7]  }
0x39: {  	_ = 	snop;
	(pc) =	sbr.ind lr, $3  }
0x3a: {  	_ = 	snop  }
0x3b: {  	_ = 	snop  }
0x3c: {  	p2 =	seq.s32 s10, $0x1;
	s10 =	sld [smem:$0x3FB6]  }
0x3d: {  	_ =	shalt  }
0x3e: {  	_ =	shalt  }
0x3f: {  	_ =	shalt  }
0x40: {  	_ =	shalt  }
0x41: {  	_ =	shalt  }
0x42: {  	_ =	shalt  }
0x43: {  	_ =	shalt  }
0x44: {  	_ =	shalt  }
0x45: {  	_ =	shalt  }
0x46: {  	_ =	shalt  }
0x47: {  	_ =	shalt  }
0x48: {  	_ =	shalt  }
0x49: {  	_ =	shalt  }
0x4a: {  	_ =	shalt  }
0x4b: {  	_ =	shalt  }
0x4c: {  	_ =	shalt  }
0x4d: {  	_ =	shalt  }
0x4e: {  	_ =	shalt  }
0x4f: {  	_ =	shalt  }
0x50: {  	_ =	shalt  }
0x51: {  	_ =	shalt  }
0x52: {  	_ =	shalt  }
0x53: {  	_ =	shalt  }
0x54: {  	_ =	shalt  }
0x55: {  	_ =	shalt  }
0x56: {  	_ =	shalt  }
0x57: {  	_ =	shalt  }
0x58: {  	_ =	shalt  }
0x59: {  	_ =	shalt  }
0x5a: {  	_ =	shalt  }
0x5b: {  	_ =	shalt  }
0x5c: {  	_ =	shalt  }
0x5d: {  	_ =	shalt  }
0x5e: {  	_ =	shalt  }
0x5f: {  	_ =	shalt  }
0x60: {  	_ =	shalt  }
0x61: {  	_ =	shalt  }
0x62: {  	_ =	shalt  }
0x63: {  	_ =	shalt  }
0x64: {  	_ =	shalt  }
0x65: {  	_ =	shalt  }
0x66: {  	_ =	shalt  }
0x67: {  	_ =	shalt  }
0x68: {  	_ =	shalt  }
0x69: {  	_ =	shalt  }
0x6a: {  	_ =	shalt  }
0x6b: {  	_ =	shalt  }
0x6c: {  	_ =	shalt  }
0x6d: {  	_ =	shalt  }
0x6e: {  	_ =	shalt  }
0x6f: {  	_ =	shalt  }
0x70: {  	_ =	shalt  }
0x71: {  	_ =	shalt  }
0x72: {  	_ =	shalt  }
0x73: {  	_ =	shalt  }
0x74: {  	_ =	shalt  }
0x75: {  	_ =	shalt  }
0x76: {  	_ =	shalt  }
0x77: {  	_ =	shalt  }
0x78: {  	_ =	shalt  }
0x79: {  	_ =	shalt  }
0x7a: {  	_ =	shalt  }
0x7b: {  	_ =	shalt  }
0x7c: {  	_ =	shalt  }
0x7d: {  	_ =	shalt  }
0x7e: {  	_ =	shalt  }
0x7f: {  	_ =	shalt  }
0x80: {  	_ =	shalt  }
0x81: {  	_ =	shalt  }
0x82: {  	_ =	shalt  }
0x83: {  	_ =	shalt  }
0x84: {  	_ =	shalt  }
0x85: {  	_ =	shalt  }
0x86: {  	_ =	shalt  }
0x87: {  	_ =	shalt  }
.Lfunc_end0:
.L_simem_size_0:
called_computation.2_lowered:
.L_overlay_start_0:
0x88: {  	s2 =	sld [smem:$0x3FD9]  }
0x89: {  	s3 =	sld [smem:$0x3FFE];
	_ =	sdelay $0x1  }
0x8a: {  	s1 =	srdreg.scid  }
0x8b: {  	s0 =	sand.u32 $0x1, s1  }
0x8c: {  	s17 =	sshll.u32 s0, $0xA;
	s2 =	sadd.s32 s3, s2  }
0x8d: {  	s2 =	sadd.s32 s2, s17  }
0x8e: {  	[smem:$0x3FC2] =	sst s2  }
0x8f: {  	_ = 	snop  }
0x90: {  	s2 =	sld [smem:$0x3FD0];
	(tm) =	ssettm $0x1  }
0x91: {  	s18 =	sld [smem:$0x3FFB];
	_ =	sdelay $0x3  }
0x92: {  	_ =	strace s18  }
0x93: {  	s3 =	sld [smem:$0x3FFC];
	_ =	sdelay $0x3  }
0x94: {  	_ =	strace s3  }
0x95: {  	s3 =	sld [smem:$0x3FFD];
	_ =	sdelay $0x3  }
0x96: {  	_ =	strace s3  }
0x97: {  	_ =	strace $0x8FFFFFFF  }
0x98: {  	s19 =	sld [smem:$0x3FDB];
	_ =	sdelay $0x1  }
0x99: {  	s4 =	simm.s32 $_scs_section_size  }
0x9a: {  	s5 =	simm.s32 $_size__tile_overlayer_lowered;
	s6 =	simm.s32 $_tile_overlayer_lowered  }
0x9b: {  	s22 =	simm.s32 $0x1BFF;
	s21 =	sshll.u32 s6, $0x1;
	s3 =	sadd.s32 s4, s19  }
0x9c: {  	s7 =	simm.s32 $0x0;
	s20 =	sshll.u32 s5, $0x1;
	s5 =	sadd.s32 s21, s3  }
0x9d: {  	[timem:s7], [sflag:s22] =	dma.local [hbm:s5], s20  }
0x9e: {  	_ =	swait.ge [sflag:s22], s20  }
0x9f: {  	s4 =	ssub.s32 $0x0, s20;
	[sflag:s22] =	ssyncset.done $0x0  }
0xa0: {  	[sflag:s22] =	ssyncadd.s32 s4;
	_ =	sdelay $0x1  }
0xa1: {  	s23 =	simm.s32 $0x1B8B  }
0xa2: {  	_ =	swait.ge [sflag:s23], $0x1  }
0xa3: {  	[sflag:s23] =	ssyncset.done $0x0  }
0xa4: {  	s25 =	simm.s32 $0x1B8E;
	s24 =	sld [smem:$0x3FFE];
	[sflag:s23] =	ssyncadd.s32 $0xFFFFFFFF  }
0xa5: {  	s26 =	simm.s32 $execute0_lowered;
	[smem:$0x3FD2] =	sst s25  }
0xa6: {  	s5 =	sshll.u32 s26, $0x1;
	_ =	strace $0x8000004C;
	[dreg:$0x1] =	wrdreg $0xFFFFFFFF  }
0xa7: {  	s28 =	simm.s32 $_size_execute0_lowered;
	s3 =	sadd.s32 s3, s5;
	[dreg:$0x0] =	wrdreg $0x0  }
0xa8: {  	s5 =	sshll.u32 s28, $0x1;
	[dreg:$0x2] =	wrdreg s3  }
0xa9: {  	[dreg:$0x3] =	wrdreg s5  }
0xaa: {  	[dreg:$0x4] =	wrdreg $0xC0  }
0xab: {  	_ =	task [dreg:s7], $0x5FFFF  }
0xac: {  	[dreg:$0x1] =	wrdreg $0xFFFFFFFF  }
0xad: {  	[dreg:$0x0] =	wrdreg $0x60  }
0xae: {  	[dreg:$0x2] =	wrdreg s2  }
0xaf: {  	[dreg:$0x3] =	wrdreg s24  }
0xb0: {  	[dreg:$0x4] =	wrdreg $0xA8000  }
0xb1: {  	[dreg:$0x5] =	wrdreg $0x9  }
0xb2: {  	_ =	task.clear_ibuf [dreg:s7], $0x6FFFF;
	_ =	strace $0x9000004C  }
0xb3: {  	s29 =	simm.s32 $0x9;
	_ =	strace $0x8000004E  }
0xb4: {  	_ =	swait.ge [sflag:s29], $0x1  }
0xb5: {  	[sflag:s29] =	ssyncadd.s32 $0xFFFFFFFF  }
0xb6: {  	_ =	strace $0x9000004E  }
0xb7: {  	_ =	sfence  }
0xb8: {  	s30 =	sld [smem:$0x0];
	_ =	sdelay $0x2  }
0xb9: {  	s31 =	sshll.u32 s1, $0xD;
	s1 =	sshrl.u32 s1, $0x2  }
0xba: {  	s3 =	sand.u32 $0x4000, s31;
	s1 =	sadd.s32 s1, s30  }
0xbb: {  	s0 =	sor.u32 s3, s0;
	s1 =	sshll.u32 s1, $0x11  }
0xbc: {  	s0 =	sor.u32 s1, s0  }
0xbd: {  	s0 =	sadd.s32 $0x8F2B, s0  }
0xbe: {  	[sflag:s0] =	ssyncadd.remote.s32 $0x1  }
0xbf: {  	_ =	sfence.sel $0xFFFF  }
0xc0: {  	[dreg:$0x0] =	wrdreg $0xFFFFFFFF;
	(pc) =	sbr.abs _section_cstart, $3  }
0xc1: {  	[dreg:$0x1] =	wrdreg $0xFFFFFFFF  }
0xc2: {  	_ =	task.clear_ibuf [dreg:s7], $0x2FFFF;
	_ =	strace $0x9FFFFFFF  }
0xc3: {  	(tm) =	ssettm $0x7FFFFFFF  }
tec
execute0_lowered:
.L_overlay_start_1:
0x0: {  	(tag) =	ssettag $0x1  }
0x1: {  	s1 =	rddreg [dreg:$0x0]  }
0x2: {  	s0 =	srdreg.scid;
	s7 =	rddreg [dreg:$0x1]  }
0x3: {  	s3 =	rddreg [dreg:$0x2];
	s4 =	simm.s32 $0x0;
	s14 =	simm.s32 $0x80  }
0x4: {  	s15 =	simm.s32 $0x2800;
	s6 =	sand.u32 $0x1, s0;
	s0 =	stileid.u32  }
0x5: {  	s16 =	simm.s32 $0x6800;
	s17 =	simm.s32 $0x1;
	s8 =	smul.u32 $0x2800, s0  }
0x6: {  	s18 =	simm.s32 $0x0;
	[smem:$0x7FF] =	sst s4;
	s9 =	smul.u32 $0x28000, s6  }
0x7: {  	s2 =	sshll.u32 s6, $0x4;
	s28 =	smul.u32 $0x50000, s0;
	s6 =	ssub.s32 $0x2, s6  }
0x8: {  	s31 =	sshll.u32 s0, $0x6;
	s2 =	sor.u32 s0, s2;
	s29 =	sshrl.u32 s6, $0x1  }
0x9: {  	s5 =	smul.u32 $0x280, s2;
	s2 =	rddreg [dreg:$0x3];
	_ =	strace $0x8000004D  }
0xa: {  	s8 =	sadd.s32 s8, s9;
	s30 =	sshrl.u32 s28, $0x2;
	s12 =	ssub.s32 s6, s29  }
0xb: {  	s6 =	sor.u32 $0x1C02, s31;
	s11 =	sadd.s32 s8, s7;
	s13 =	sadd.s32 s30, s3  }
0xc: {  	s10 =	sadd.s32 s5, s7;
	s5 =	sadd.s32 $0xE00, s7;
	s9 =	sadd.s32 $0x65400, s11  }
0xd: {  	s11 =	sshrl.u32 s13, $0x3;
	s13 =	simm.s32 $0x1400;
	s7 =	sadd.s32 $0x10400, s10  }
0xe: {  	s8 =	sadd.s32 $0xAE00, s10;
	s10 =	smax.u32 s12, $0x1;
	s12 =	simm.s32 $0x2  }
.LBB2_1:
0xf: {  	[spmem:s11], [sflag:s6] =	dma.local [hbm:s5], $0x2800  }
0x10: {  	_ =	swait.ge [sflag:s12], $0x2800  }
0x11: {  	[sflag:s12] =	ssyncset.done $0x0  }
0x12: {  	[sflag:s12] =	ssyncadd.s32 $0xFFFFD800  }
0x13: {  	[tilespmem:s4], [sflag:$0x2] =	stream.linear.gather [hbm4b:s7+s4], $0x1400, $0x38;
	[tilespmem:$0x1E800] =	vst v63  }
0x14: {  	_ =	swait.ge [sflag:s12], $0x1400  }
0x15: {  	[sflag:s12] =	ssyncset.done $0x0  }
0x16: {  	[sflag:s12] =	ssyncadd.s32 $0xFFFFEC00  }
0x17: {  	[tilespmem:s13], [sflag:$0x2] =	stream.linear.gather [hbm4b:s8+s4], $0x1400, $0x38;
	[tilespmem:$0x1E800] =	vst v63  }
0x18: {  	_ =	swait.ge [sflag:s12], $0x1400  }
0x19: {  	[sflag:s12] =	ssyncset.done $0x0  }
0x1a: {  	[sflag:s12] =	ssyncadd.s32 $0xFFFFEC00  }
0x1b: {  	s19 =	simm.s32 $0x0;
	[bflag:$0x0] =	sbarrier.arrive $0xFFFF  }
0x1c: {  	[tilespmem:s15], [sflag:$0x1] =	stream.indirect.gather [hbm4b:s1+s14], $0x80, s19, s14, $0xb8;
	[tilespmem:$0x1E800] =	vst v63  }
0x1d: {  	s29 =	simm.s32 $0x80  }
0x1e: {  	[tilespmem:s16], [sflag:$0x1] =	stream.indirect.gather [hbm4b:s1+s14], $0x80, s29, s14, $0xb8;
	[tilespmem:$0x1E800] =	vst v63  }
0x1f: {  	_ =	swait.ge [sflag:s17], $0x4000  }
0x20: {  	[sflag:s17] =	ssyncset.done $0x0  }
0x21: {  	[sflag:s17] =	ssyncadd.s32 $0xFFFFC000  }
0x22: {  	_ =	swait.ge [sflag:s17], $0x4000  }
0x23: {  	[sflag:s17] =	ssyncset.done $0x0  }
0x24: {  	s30 =	simm.s32 $0x1400;
	[sflag:s17] =	ssyncadd.s32 $0xFFFFC000  }
0x25: {  	[spmem:s3] =	stream.indirect.scatter.add.f32 [tilespmem:s15], [sflag:$0x2], $0x80, s30, s14, $0xb8;
	[tilespmem:$0x1E800] =	vst v63  }
0x26: {  	_ =	swait.ge [sflag:s12], $0x4000  }
0x27: {  	[sflag:s12] =	ssyncset.done $0x0  }
0x28: {  	s31 =	simm.s32 $0x1480;
	[sflag:s12] =	ssyncadd.s32 $0xFFFFC000  }
0x29: {  	[spmem:s3] =	stream.indirect.scatter.add.f32 [tilespmem:s16], [sflag:$0x2], $0x80, s31, s14, $0xb8;
	[tilespmem:$0x1E800] =	vst v63  }
0x2a: {  	_ =	swait.ge [sflag:s12], $0x4000  }
0x2b: {  	s20 =	simm.s32 $0x800;
	s19 =	simm.s32 $0x400;
	[sflag:s12] =	ssyncset.done $0x0  }
.LBB2_2:
0x2c: {  	s21 =	sshra.s32 s19, $0x2  }
0x2d: {  	[sflag:s12] =	ssyncadd.s32 $0xFFFFC000;
	s19 =	smov.u32 s20;
	s22 =	sadd.s32 $0x400, s20  }
0x2e: {  	[tilespmem:s15], [sflag:$0x1] =	stream.indirect.gather [hbm4b:s1+s14], $0x80, s21, s14, $0xb8;
	[tilespmem:$0x1E800] =	vst v63  }
0x2f: {  	p0 =	sne.s32 s20, $0x4C00;
	s20 =	sadd.s32 $0x80, s21  }
0x30: {  	[tilespmem:s16], [sflag:$0x1] =	stream.indirect.gather [hbm4b:s1+s14], $0x80, s20, s14, $0xb8;
	[tilespmem:$0x1E800] =	vst v63  }
0x31: {  	_ =	swait.ge [sflag:s17], $0x4000  }
0x32: {  	[sflag:s17] =	ssyncset.done $0x0  }
0x33: {  	[sflag:s17] =	ssyncadd.s32 $0xFFFFC000  }
0x34: {  	_ =	swait.ge [sflag:s17], $0x4000  }
0x35: {  	[sflag:s17] =	ssyncset.done $0x0  }
0x36: {  	s20 =	sadd.s32 $0x1400, s21;
	[sflag:s17] =	ssyncadd.s32 $0xFFFFC000  }
0x37: {  	[spmem:s3] =	stream.indirect.scatter.add.f32 [tilespmem:s15], [sflag:$0x2], $0x80, s20, s14, $0xb8;
	[tilespmem:$0x1E800] =	vst v63  }
0x38: {  	_ =	swait.ge [sflag:s12], $0x4000  }
.Ltmp0:
0x39: {  	[sflag:s12] =	ssyncset.done $0x0;
	(pc) =	sbr.rel @p0 .LBB2_2-.Ltmp0, $4  }
0x3a: {  	s20 =	sadd.s32 $0x1480, s21;
	[sflag:s12] =	ssyncadd.s32 $0xFFFFC000  }
0x3b: {  	[spmem:s3] =	stream.indirect.scatter.add.f32 [tilespmem:s16], [sflag:$0x2], $0x80, s20, s14, $0xb8;
	[tilespmem:$0x1E800] =	vst v63  }
0x3c: {  	_ =	swait.ge [sflag:s12], $0x4000  }
0x3d: {  	s20 =	smov.u32 s22;
	[sflag:s12] =	ssyncset.done $0x0  }
0x3e: {  	s19 =	sshra.s32 s19, $0x2;
	[sflag:s12] =	ssyncadd.s32 $0xFFFFC000  }
0x3f: {  	[tilespmem:s15], [sflag:$0x1] =	stream.indirect.gather [hbm4b:s1+s14], $0x80, s19, s14, $0xb8;
	[tilespmem:$0x1E800] =	vst v63  }
0x40: {  	s20 =	sadd.s32 $0x80, s19  }
0x41: {  	[tilespmem:s16], [sflag:$0x1] =	stream.indirect.gather [hbm4b:s1+s14], $0x80, s20, s14, $0xb8;
	[tilespmem:$0x1E800] =	vst v63  }
0x42: {  	_ =	swait.ge [sflag:s17], $0x4000  }
0x43: {  	[sflag:s17] =	ssyncset.done $0x0  }
0x44: {  	[sflag:s17] =	ssyncadd.s32 $0xFFFFC000  }
0x45: {  	_ =	swait.ge [sflag:s17], $0x4000  }
0x46: {  	[sflag:s17] =	ssyncset.done $0x0  }
0x47: {  	s31 =	sadd.s32 $0x1400, s19;
	[sflag:s17] =	ssyncadd.s32 $0xFFFFC000  }
0x48: {  	[spmem:s3] =	stream.indirect.scatter.add.f32 [tilespmem:s15], [sflag:$0x2], $0x80, s31, s14, $0xb8;
	[tilespmem:$0x1E800] =	vst v63  }
0x49: {  	_ =	swait.ge [sflag:s12], $0x4000  }
0x4a: {  	[sflag:s12] =	ssyncset.done $0x0  }
0x4b: {  	s19 =	sadd.s32 $0x1480, s19;
	[sflag:s12] =	ssyncadd.s32 $0xFFFFC000  }
0x4c: {  	[spmem:s3] =	stream.indirect.scatter.add.f32 [tilespmem:s16], [sflag:$0x2], $0x80, s19, s14, $0xb8;
	[tilespmem:$0x1E800] =	vst v63  }
0x4d: {  	_ =	swait.ge [sflag:s12], $0x4000  }
0x4e: {  	s18 =	sadd.s32 $0x1, s18;
	[sflag:s12] =	ssyncset.done $0x0  }
0x4f: {  	p0 =	sne.s32 s18, s10;
	[sflag:s12] =	ssyncadd.s32 $0xFFFFC000  }
.Ltmp1:
0x50: {  	[bflag:$0x0] =	sbarrier.arrive $0xFFFF;
	(pc) =	sbr.rel @p0 .LBB2_1-.Ltmp1, $4  }
0x51: {  	[hbm:s9], [sflag:s6] =	dma.local [spmem:s11], $0x2800  }
0x52: {  	_ =	swait.ge [sflag:s12], $0x2800  }
0x53: {  	[sflag:s12] =	ssyncset.done $0x0  }
0x54: {  	[sflag:s12] =	ssyncadd.s32 $0xFFFFD800  }
0x55: {  	_ =	sfence.sel $0x180000  }
0x56: {  	[bflag:$0x0] =	sbarrier.arrive $0xFFFF  }
0x57: {  	p0 =	sne.s32 s0, $0x0;
	_ =	strace $0x9000004D  }
0x58: {  	s0 =	sadd.s32 @!p0 $0x100000, s2;
	[bflag:$0x2] =	sbarrier.arrive $0xFFFF  }
0x59: {  	[sflag:s0] =	ssyncadd.tile.s32 @!p0 $0x1;
	_ =	shalt  }
.Lfunc_end2:
_tile_overlayer_lowered:
.L_overlay_start_2:
0x5a: {  	(tag) =	ssettag $0x2  }
0x5b: {  	s0 =	rddreg [dreg:$0x0];
	s2 =	stileid.u32  }
0x5c: {  	s1 =	rddreg [dreg:$0x1];
	p0 =	sne.s32 s2, $0x0  }
0x5d: {  	s3 =	rddreg [dreg:$0x2];
	[bflag:$0x3] =	sbarrier.arrive $0xFFFF;
	s2 =	simm.s32 @!p0 $0x1C02  }
0x5e: {  	[timem:s3], [sflag:s2] =	dma.local @!p0 [hbm:s0], s1  }
0x5f: {  	s0 =	simm.s32 @!p0 $0x2  }
0x60: {  	_ =	swait.ge @!p0 [sflag:s0], s1  }
0x61: {  	s1 =	ssub.s32 @!p0 $0x0, s1;
	[sflag:s0] =	ssyncset.done @!p0 $0x0  }
0x62: {  	[sflag:s0] =	ssyncadd.s32 @!p0 s1  }
0x63: {  	[bflag:$0x3] =	sbarrier.arrive $0xFFFF  }
0x64: {  	_ =	shalt  }

// kernel: _run.7.cloned.1.call-start
scs
__scs_entry_jumppad:
0x0: {  	(pc) =	sbr.rel $0x88, $3  }
0x1: {  	(tag) =	ssettag $0x0;
	lr =	simm.s32 $0x1  }
0x2: {  	[smem:$0x3F9B] =	sst lr;
	_ =	strace $0xD0000000  }
0x3: {  	_ = 	snop  }
0x4: {  	_ = 	snop  }
0x5: {  	_ = 	snop  }
0x6: {  	_ = 	snop  }
0x7: {  	_ = 	snop  }
__scs_overlays_trampoline_lowered:
0x8: {  	[smem:$0x3FAA] =	sst s0  }
0x9: {  	[smem:$0x3FAB] =	sst s1  }
0xa: {  	[smem:$0x3FAC] =	sst s2  }
0xb: {  	[smem:$0x3FAD] =	sst s3  }
0xc: {  	[smem:$0x3FAE] =	sst s4  }
0xd: {  	[smem:$0x3FAF] =	sst s5  }
0xe: {  	[smem:$0x3FB0] =	sst s6  }
0xf: {  	[smem:$0x3FB1] =	sst s7  }
0x10: {  	[smem:$0x3FB2] =	sst s8  }
0x11: {  	[smem:$0x3FB3] =	sst s9;
	s0 =	simm.s32 @!p0 $0x0  }
0x12: {  	s1 =	sld [smem:$0x3F99];
	s0 =	simm.s32 @p0 $0x1  }
0x13: {  	[smem:$0x3FB4] =	sst s0;
	s0 =	simm.s32 @!p1 $0x0  }
0x14: {  	s2 =	sld [smem:$0x3F98];
	s0 =	simm.s32 @p1 $0x1  }
0x15: {  	[smem:$0x3FB5] =	sst s0;
	s0 =	simm.s32 @!p2 $0x0  }
0x16: {  	s3 =	sld [smem:$0x3FDB];
	s0 =	simm.s32 @p2 $0x1  }
0x17: {  	s4 =	simm.s32 $0x1BF5;
	[smem:$0x3FB7] =	sst s0  }
0x18: {  	s0 =	sld [smem:$0x3F9A];
	_ =	swait.ge [sflag:s4], $0x0  }
0x19: {  	s7 =	sld [smem:$0x3F9B]  }
0x1a: {  	s8 =	sadd.s32 $0xFFFFE003, lr  }
0x1b: {  	s9 =	sadd.s32 $0xFFFFFEF7, lr;
	s5 =	simm.s32 $0xFFFFFFFF;
	p2 =	slt.u32 s8, $0xFFFFF086  }
0x1c: {  	p1 =	slt.u32 s9, $0xF7A;
	s5 =	simm.s32 @!p2 $0x0  }
0x1d: {  	s5 =	simm.s32 @p1 $0x1;
	p0 =	seq.s32 s7, s2  }
0x1e: {  	s7 =	smul.u32 @!p0 $0xF7A, s2;
	p2 =	seq.s32 @!p0 s5, $0x0  }
0x1f: {  	s9 =	smul.u32 $0xF7A, s1;
	s8 =	simm.s32 @!p0 $0x1BF5;
	p2 =	por !p2, p0  }
0x20: {  	[sflag:s8] =	ssyncset.s32 @!p0 $0xFFFFF086;
	s6 =	sadd.s32 @!p0 s3, s7;
	s7 =	simm.s32 @!p0 $0x108  }
0x21: {  	s3 =	sadd.s32 s3, s9;
	s6 =	sadd.s32 @!p0 $0x88, s6;
	s7 =	simm.s32 @p2 $0x1082  }
0x22: {  	[simem:s7], [sflag:s8] =	dma.local @!p0 [hbm:s6], $0xF7A  }
0x23: {  	s9 =	sor.u32 $0xD0000000, s2;
	s6 =	simm.s32 $0x108;
	_ =	swait.ge @!p0 [sflag:s8], $0x0  }
0x24: {  	s3 =	sadd.s32 $0x88, s3;
	s6 =	simm.s32 @!p1 $0x1082;
	[sflag:s4] =	ssyncset.s32 $0xFFFFF086  }
0x25: {  	[simem:s6], [sflag:s4] =	dma.local [hbm:s3], $0xF7A  }
0x26: {  	[smem:$0x3F9B] =	sst s1;
	(tag) =	ssettag s2;
	_ =	strace s9  }
0x27: {  	s1 =	sld [smem:$0x3FAB]  }
0x28: {  	s2 =	sld [smem:$0x3FAC]  }
0x29: {  	s4 =	sld [smem:$0x3FAE]  }
0x2a: {  	p0 =	seq.s32 s5, $0x0;
	s5 =	sld [smem:$0x3FAF]  }
0x2b: {  	s6 =	sld [smem:$0x3FB0]  }
0x2c: {  	s7 =	sld [smem:$0x3FB1]  }
0x2d: {  	s3 =	simm.s32 $0x108;
	s8 =	sld [smem:$0x3FB2]  }
0x2e: {  	s3 =	simm.s32 @!p0 $0x1082;
	s9 =	sld [smem:$0x3FB3]  }
0x2f: {  	lr =	sadd.s32 s0, s3;
	s0 =	sld [smem:$0x3FAA]  }
0x30: {  	s3 =	sld [smem:$0x3FAD]  }
0x31: {  	[smem:$0x3FB6] =	sst s10  }
0x32: {  	s10 =	sld [smem:$0x3FB4];
	_ =	sdelay $0x3  }
0x33: {  	p0 =	seq.s32 s10, $0x1;
	s10 =	sld [smem:$0x3FB6];
	_ =	sdelay $0x3  }
0x34: {  	[smem:$0x3FB6] =	sst s10  }
0x35: {  	s10 =	sld [smem:$0x3FB5];
	_ =	sdelay $0x3  }
0x36: {  	p1 =	seq.s32 s10, $0x1;
	s10 =	sld [smem:$0x3FB6];
	_ =	sdelay $0x3  }
0x37: {  	[smem:$0x3FB6] =	sst s10  }
0x38: {  	s10 =	sld [smem:$0x3FB7]  }
0x39: {  	_ = 	snop;
	(pc) =	sbr.ind lr, $3  }
0x3a: {  	_ = 	snop  }
0x3b: {  	_ = 	snop  }
0x3c: {  	p2 =	seq.s32 s10, $0x1;
	s10 =	sld [smem:$0x3FB6]  }
0x3d: {  	_ =	shalt  }
0x3e: {  	_ =	shalt  }
0x3f: {  	_ =	shalt  }
0x40: {  	_ =	shalt  }
0x41: {  	_ =	shalt  }
0x42: {  	_ =	shalt  }
0x43: {  	_ =	shalt  }
0x44: {  	_ =	shalt  }
0x45: {  	_ =	shalt  }
0x46: {  	_ =	shalt  }
0x47: {  	_ =	shalt  }
0x48: {  	_ =	shalt  }
0x49: {  	_ =	shalt  }
0x4a: {  	_ =	shalt  }
0x4b: {  	_ =	shalt  }
0x4c: {  	_ =	shalt  }
0x4d: {  	_ =	shalt  }
0x4e: {  	_ =	shalt  }
0x4f: {  	_ =	shalt  }
0x50: {  	_ =	shalt  }
0x51: {  	_ =	shalt  }
0x52: {  	_ =	shalt  }
0x53: {  	_ =	shalt  }
0x54: {  	_ =	shalt  }
0x55: {  	_ =	shalt  }
0x56: {  	_ =	shalt  }
0x57: {  	_ =	shalt  }
0x58: {  	_ =	shalt  }
0x59: {  	_ =	shalt  }
0x5a: {  	_ =	shalt  }
0x5b: {  	_ =	shalt  }
0x5c: {  	_ =	shalt  }
0x5d: {  	_ =	shalt  }
0x5e: {  	_ =	shalt  }
0x5f: {  	_ =	shalt  }
0x60: {  	_ =	shalt  }
0x61: {  	_ =	shalt  }
0x62: {  	_ =	shalt  }
0x63: {  	_ =	shalt  }
0x64: {  	_ =	shalt  }
0x65: {  	_ =	shalt  }
0x66: {  	_ =	shalt  }
0x67: {  	_ =	shalt  }
0x68: {  	_ =	shalt  }
0x69: {  	_ =	shalt  }
0x6a: {  	_ =	shalt  }
0x6b: {  	_ =	shalt  }
0x6c: {  	_ =	shalt  }
0x6d: {  	_ =	shalt  }
0x6e: {  	_ =	shalt  }
0x6f: {  	_ =	shalt  }
0x70: {  	_ =	shalt  }
0x71: {  	_ =	shalt  }
0x72: {  	_ =	shalt  }
0x73: {  	_ =	shalt  }
0x74: {  	_ =	shalt  }
0x75: {  	_ =	shalt  }
0x76: {  	_ =	shalt  }
0x77: {  	_ =	shalt  }
0x78: {  	_ =	shalt  }
0x79: {  	_ =	shalt  }
0x7a: {  	_ =	shalt  }
0x7b: {  	_ =	shalt  }
0x7c: {  	_ =	shalt  }
0x7d: {  	_ =	shalt  }
0x7e: {  	_ =	shalt  }
0x7f: {  	_ =	shalt  }
0x80: {  	_ =	shalt  }
0x81: {  	_ =	shalt  }
0x82: {  	_ =	shalt  }
0x83: {  	_ =	shalt  }
0x84: {  	_ =	shalt  }
0x85: {  	_ =	shalt  }
0x86: {  	_ =	shalt  }
0x87: {  	_ =	shalt  }
.Lfunc_end0:
.L_simem_size_0:
called_computation.1_lowered:
.L_overlay_start_0:
0x88: {  	s2 =	sld [smem:$0x3FD9]  }
0x89: {  	s3 =	sld [smem:$0x3FFE];
	_ =	sdelay $0x1  }
0x8a: {  	s1 =	srdreg.scid  }
0x8b: {  	s0 =	sand.u32 $0x1, s1  }
0x8c: {  	s17 =	sshll.u32 s0, $0xA;
	s2 =	sadd.s32 s3, s2  }
0x8d: {  	s2 =	sadd.s32 s2, s17  }
0x8e: {  	[smem:$0x3FC2] =	sst s2  }
0x8f: {  	_ = 	snop  }
0x90: {  	s2 =	sld [smem:$0x3FD0];
	(tm) =	ssettm $0x1  }
0x91: {  	s18 =	sld [smem:$0x3FFB];
	_ =	sdelay $0x3  }
0x92: {  	_ =	strace s18  }
0x93: {  	s3 =	sld [smem:$0x3FFC];
	_ =	sdelay $0x3  }
0x94: {  	_ =	strace s3  }
0x95: {  	s3 =	sld [smem:$0x3FFD];
	_ =	sdelay $0x3  }
0x96: {  	_ =	strace s3  }
0x97: {  	_ =	strace $0x8FFFFFFF  }
0x98: {  	s19 =	sld [smem:$0x3FDB];
	_ =	sdelay $0x1  }
0x99: {  	s4 =	simm.s32 $_scs_section_size  }
0x9a: {  	s5 =	simm.s32 $_size__tile_overlayer_lowered;
	s6 =	simm.s32 $_tile_overlayer_lowered  }
0x9b: {  	s22 =	simm.s32 $0x1BFF;
	s21 =	sshll.u32 s6, $0x1;
	s3 =	sadd.s32 s4, s19  }
0x9c: {  	s7 =	simm.s32 $0x0;
	s20 =	sshll.u32 s5, $0x1;
	s5 =	sadd.s32 s21, s3  }
0x9d: {  	[timem:s7], [sflag:s22] =	dma.local [hbm:s5], s20  }
0x9e: {  	_ =	swait.ge [sflag:s22], s20  }
0x9f: {  	s4 =	ssub.s32 $0x0, s20;
	[sflag:s22] =	ssyncset.done $0x0  }
0xa0: {  	[sflag:s22] =	ssyncadd.s32 s4;
	_ =	sdelay $0x1  }
0xa1: {  	s23 =	simm.s32 $0x1B8B  }
0xa2: {  	_ =	swait.ge [sflag:s23], $0x1  }
0xa3: {  	[sflag:s23] =	ssyncset.done $0x0  }
0xa4: {  	s25 =	simm.s32 $0x1B8E;
	s24 =	sld [smem:$0x3FFE];
	[sflag:s23] =	ssyncadd.s32 $0xFFFFFFFF  }
0xa5: {  	s26 =	simm.s32 $execute0_lowered;
	[smem:$0x3FD2] =	sst s25  }
0xa6: {  	s5 =	sshll.u32 s26, $0x1;
	_ =	strace $0x80000049;
	[dreg:$0x1] =	wrdreg $0xFFFFFFFF  }
0xa7: {  	s28 =	simm.s32 $_size_execute0_lowered;
	s3 =	sadd.s32 s3, s5;
	[dreg:$0x0] =	wrdreg $0x0  }
0xa8: {  	s5 =	sshll.u32 s28, $0x1;
	[dreg:$0x2] =	wrdreg s3  }
0xa9: {  	[dreg:$0x3] =	wrdreg s5  }
0xaa: {  	[dreg:$0x4] =	wrdreg $0xC0  }
0xab: {  	_ =	task [dreg:s7], $0x5FFFF  }
0xac: {  	[dreg:$0x1] =	wrdreg $0xFFFFFFFF  }
0xad: {  	[dreg:$0x0] =	wrdreg $0x60  }
0xae: {  	[dreg:$0x2] =	wrdreg s2  }
0xaf: {  	[dreg:$0x3] =	wrdreg s24  }
0xb0: {  	[dreg:$0x4] =	wrdreg $0xA8000  }
0xb1: {  	[dreg:$0x5] =	wrdreg $0x9  }
0xb2: {  	_ =	task.clear_ibuf [dreg:s7], $0x6FFFF;
	_ =	strace $0x90000049  }
0xb3: {  	s29 =	simm.s32 $0x9;
	_ =	strace $0x8000004B  }
0xb4: {  	_ =	swait.ge [sflag:s29], $0x1  }
0xb5: {  	[sflag:s29] =	ssyncadd.s32 $0xFFFFFFFF  }
0xb6: {  	_ =	strace $0x9000004B  }
0xb7: {  	_ =	sfence  }
0xb8: {  	s30 =	sld [smem:$0x0];
	_ =	sdelay $0x2  }
0xb9: {  	s31 =	sshll.u32 s1, $0xD;
	s1 =	sshrl.u32 s1, $0x2  }
0xba: {  	s3 =	sand.u32 $0x4000, s31;
	s1 =	sadd.s32 s1, s30  }
0xbb: {  	s0 =	sor.u32 s3, s0;
	s1 =	sshll.u32 s1, $0x11  }
0xbc: {  	s0 =	sor.u32 s1, s0  }
0xbd: {  	s0 =	sadd.s32 $0x8F2B, s0  }
0xbe: {  	[sflag:s0] =	ssyncadd.remote.s32 $0x1  }
0xbf: {  	_ =	sfence.sel $0xFFFF  }
0xc0: {  	[dreg:$0x0] =	wrdreg $0xFFFFFFFF;
	(pc) =	sbr.abs _section_cstart, $3  }
0xc1: {  	[dreg:$0x1] =	wrdreg $0xFFFFFFFF  }
0xc2: {  	_ =	task.clear_ibuf [dreg:s7], $0x2FFFF;
	_ =	strace $0x9FFFFFFF  }
0xc3: {  	(tm) =	ssettm $0x7FFFFFFF  }
tec
execute0_lowered:
.L_overlay_start_1:
0x0: {  	(tag) =	ssettag $0x1  }
0x1: {  	s1 =	rddreg [dreg:$0x0]  }
0x2: {  	s0 =	srdreg.scid;
	s7 =	rddreg [dreg:$0x1]  }
0x3: {  	s3 =	rddreg [dreg:$0x2];
	s4 =	simm.s32 $0x0;
	s14 =	simm.s32 $0x80  }
0x4: {  	s15 =	simm.s32 $0x2800;
	s6 =	sand.u32 $0x1, s0;
	s0 =	stileid.u32  }
0x5: {  	s16 =	simm.s32 $0x6800;
	s17 =	simm.s32 $0x1;
	s8 =	smul.u32 $0x2800, s0  }
0x6: {  	s18 =	simm.s32 $0x0;
	[smem:$0x7FF] =	sst s4;
	s9 =	smul.u32 $0x28000, s6  }
0x7: {  	s2 =	sshll.u32 s6, $0x4;
	s28 =	smul.u32 $0x50000, s0;
	s6 =	ssub.s32 $0x2, s6  }
0x8: {  	s31 =	sshll.u32 s0, $0x6;
	s2 =	sor.u32 s0, s2;
	s29 =	sshrl.u32 s6, $0x1  }
0x9: {  	s5 =	smul.u32 $0x280, s2;
	s2 =	rddreg [dreg:$0x3];
	_ =	strace $0x8000004A  }
0xa: {  	s8 =	sadd.s32 s8, s9;
	s30 =	sshrl.u32 s28, $0x2;
	s12 =	ssub.s32 s6, s29  }
0xb: {  	s6 =	sor.u32 $0x1C02, s31;
	s11 =	sadd.s32 s8, s7;
	s13 =	sadd.s32 s30, s3  }
0xc: {  	s10 =	sadd.s32 s5, s7;
	s5 =	sadd.s32 $0xE00, s7;
	s9 =	sadd.s32 $0x65400, s11  }
0xd: {  	s11 =	sshrl.u32 s13, $0x3;
	s13 =	simm.s32 $0x1400;
	s7 =	sadd.s32 $0x10400, s10  }
0xe: {  	s8 =	sadd.s32 $0xAE00, s10;
	s10 =	smax.u32 s12, $0x1;
	s12 =	simm.s32 $0x2  }
.LBB2_1:
0xf: {  	[spmem:s11], [sflag:s6] =	dma.local [hbm:s5], $0x2800  }
0x10: {  	_ =	swait.ge [sflag:s12], $0x2800  }
0x11: {  	[sflag:s12] =	ssyncset.done $0x0  }
0x12: {  	[sflag:s12] =	ssyncadd.s32 $0xFFFFD800  }
0x13: {  	[tilespmem:s4], [sflag:$0x2] =	stream.linear.gather [hbm4b:s7+s4], $0x1400, $0x38;
	[tilespmem:$0x1E800] =	vst v63  }
0x14: {  	_ =	swait.ge [sflag:s12], $0x1400  }
0x15: {  	[sflag:s12] =	ssyncset.done $0x0  }
0x16: {  	[sflag:s12] =	ssyncadd.s32 $0xFFFFEC00  }
0x17: {  	[tilespmem:s13], [sflag:$0x2] =	stream.linear.gather [hbm4b:s8+s4], $0x1400, $0x38;
	[tilespmem:$0x1E800] =	vst v63  }
0x18: {  	_ =	swait.ge [sflag:s12], $0x1400  }
0x19: {  	[sflag:s12] =	ssyncset.done $0x0  }
0x1a: {  	[sflag:s12] =	ssyncadd.s32 $0xFFFFEC00  }
0x1b: {  	s19 =	simm.s32 $0x0;
	[bflag:$0x0] =	sbarrier.arrive $0xFFFF  }
0x1c: {  	[tilespmem:s15], [sflag:$0x1] =	stream.indirect.gather [hbm4b:s1+s14], $0x80, s19, s14, $0xb8;
	[tilespmem:$0x1E800] =	vst v63  }
0x1d: {  	s29 =	simm.s32 $0x80  }
0x1e: {  	[tilespmem:s16], [sflag:$0x1] =	stream.indirect.gather [hbm4b:s1+s14], $0x80, s29, s14, $0xb8;
	[tilespmem:$0x1E800] =	vst v63  }
0x1f: {  	_ =	swait.ge [sflag:s17], $0x4000  }
0x20: {  	[sflag:s17] =	ssyncset.done $0x0  }
0x21: {  	[sflag:s17] =	ssyncadd.s32 $0xFFFFC000  }
0x22: {  	_ =	swait.ge [sflag:s17], $0x4000  }
0x23: {  	[sflag:s17] =	ssyncset.done $0x0  }
0x24: {  	s30 =	simm.s32 $0x1400;
	[sflag:s17] =	ssyncadd.s32 $0xFFFFC000  }
0x25: {  	[spmem:s3] =	stream.indirect.scatter.add.f32 [tilespmem:s15], [sflag:$0x2], $0x80, s30, s14, $0xb8;
	[tilespmem:$0x1E800] =	vst v63  }
0x26: {  	_ =	swait.ge [sflag:s12], $0x4000  }
0x27: {  	[sflag:s12] =	ssyncset.done $0x0  }
0x28: {  	s31 =	simm.s32 $0x1480;
	[sflag:s12] =	ssyncadd.s32 $0xFFFFC000  }
0x29: {  	[spmem:s3] =	stream.indirect.scatter.add.f32 [tilespmem:s16], [sflag:$0x2], $0x80, s31, s14, $0xb8;
	[tilespmem:$0x1E800] =	vst v63  }
0x2a: {  	_ =	swait.ge [sflag:s12], $0x4000  }
0x2b: {  	s20 =	simm.s32 $0x800;
	s19 =	simm.s32 $0x400;
	[sflag:s12] =	ssyncset.done $0x0  }
.LBB2_2:
0x2c: {  	s21 =	sshra.s32 s19, $0x2  }
0x2d: {  	[sflag:s12] =	ssyncadd.s32 $0xFFFFC000;
	s19 =	smov.u32 s20;
	s22 =	sadd.s32 $0x400, s20  }
0x2e: {  	[tilespmem:s15], [sflag:$0x1] =	stream.indirect.gather [hbm4b:s1+s14], $0x80, s21, s14, $0xb8;
	[tilespmem:$0x1E800] =	vst v63  }
0x2f: {  	p0 =	sne.s32 s20, $0x4C00;
	s20 =	sadd.s32 $0x80, s21  }
0x30: {  	[tilespmem:s16], [sflag:$0x1] =	stream.indirect.gather [hbm4b:s1+s14], $0x80, s20, s14, $0xb8;
	[tilespmem:$0x1E800] =	vst v63  }
0x31: {  	_ =	swait.ge [sflag:s17], $0x4000  }
0x32: {  	[sflag:s17] =	ssyncset.done $0x0  }
0x33: {  	[sflag:s17] =	ssyncadd.s32 $0xFFFFC000  }
0x34: {  	_ =	swait.ge [sflag:s17], $0x4000  }
0x35: {  	[sflag:s17] =	ssyncset.done $0x0  }
0x36: {  	s20 =	sadd.s32 $0x1400, s21;
	[sflag:s17] =	ssyncadd.s32 $0xFFFFC000  }
0x37: {  	[spmem:s3] =	stream.indirect.scatter.add.f32 [tilespmem:s15], [sflag:$0x2], $0x80, s20, s14, $0xb8;
	[tilespmem:$0x1E800] =	vst v63  }
0x38: {  	_ =	swait.ge [sflag:s12], $0x4000  }
.Ltmp0:
0x39: {  	[sflag:s12] =	ssyncset.done $0x0;
	(pc) =	sbr.rel @p0 .LBB2_2-.Ltmp0, $4  }
0x3a: {  	s20 =	sadd.s32 $0x1480, s21;
	[sflag:s12] =	ssyncadd.s32 $0xFFFFC000  }
0x3b: {  	[spmem:s3] =	stream.indirect.scatter.add.f32 [tilespmem:s16], [sflag:$0x2], $0x80, s20, s14, $0xb8;
	[tilespmem:$0x1E800] =	vst v63  }
0x3c: {  	_ =	swait.ge [sflag:s12], $0x4000  }
0x3d: {  	s20 =	smov.u32 s22;
	[sflag:s12] =	ssyncset.done $0x0  }
0x3e: {  	s19 =	sshra.s32 s19, $0x2;
	[sflag:s12] =	ssyncadd.s32 $0xFFFFC000  }
0x3f: {  	[tilespmem:s15], [sflag:$0x1] =	stream.indirect.gather [hbm4b:s1+s14], $0x80, s19, s14, $0xb8;
	[tilespmem:$0x1E800] =	vst v63  }
0x40: {  	s20 =	sadd.s32 $0x80, s19  }
0x41: {  	[tilespmem:s16], [sflag:$0x1] =	stream.indirect.gather [hbm4b:s1+s14], $0x80, s20, s14, $0xb8;
	[tilespmem:$0x1E800] =	vst v63  }
0x42: {  	_ =	swait.ge [sflag:s17], $0x4000  }
0x43: {  	[sflag:s17] =	ssyncset.done $0x0  }
0x44: {  	[sflag:s17] =	ssyncadd.s32 $0xFFFFC000  }
0x45: {  	_ =	swait.ge [sflag:s17], $0x4000  }
0x46: {  	[sflag:s17] =	ssyncset.done $0x0  }
0x47: {  	s31 =	sadd.s32 $0x1400, s19;
	[sflag:s17] =	ssyncadd.s32 $0xFFFFC000  }
0x48: {  	[spmem:s3] =	stream.indirect.scatter.add.f32 [tilespmem:s15], [sflag:$0x2], $0x80, s31, s14, $0xb8;
	[tilespmem:$0x1E800] =	vst v63  }
0x49: {  	_ =	swait.ge [sflag:s12], $0x4000  }
0x4a: {  	[sflag:s12] =	ssyncset.done $0x0  }
0x4b: {  	s19 =	sadd.s32 $0x1480, s19;
	[sflag:s12] =	ssyncadd.s32 $0xFFFFC000  }
0x4c: {  	[spmem:s3] =	stream.indirect.scatter.add.f32 [tilespmem:s16], [sflag:$0x2], $0x80, s19, s14, $0xb8;
	[tilespmem:$0x1E800] =	vst v63  }
0x4d: {  	_ =	swait.ge [sflag:s12], $0x4000  }
0x4e: {  	s18 =	sadd.s32 $0x1, s18;
	[sflag:s12] =	ssyncset.done $0x0  }
0x4f: {  	p0 =	sne.s32 s18, s10;
	[sflag:s12] =	ssyncadd.s32 $0xFFFFC000  }
.Ltmp1:
0x50: {  	[bflag:$0x0] =	sbarrier.arrive $0xFFFF;
	(pc) =	sbr.rel @p0 .LBB2_1-.Ltmp1, $4  }
0x51: {  	[hbm:s9], [sflag:s6] =	dma.local [spmem:s11], $0x2800  }
0x52: {  	_ =	swait.ge [sflag:s12], $0x2800  }
0x53: {  	[sflag:s12] =	ssyncset.done $0x0  }
0x54: {  	[sflag:s12] =	ssyncadd.s32 $0xFFFFD800  }
0x55: {  	_ =	sfence.sel $0x180000  }
0x56: {  	[bflag:$0x0] =	sbarrier.arrive $0xFFFF  }
0x57: {  	p0 =	sne.s32 s0, $0x0;
	_ =	strace $0x9000004A  }
0x58: {  	s0 =	sadd.s32 @!p0 $0x100000, s2;
	[bflag:$0x2] =	sbarrier.arrive $0xFFFF  }
0x59: {  	[sflag:s0] =	ssyncadd.tile.s32 @!p0 $0x1;
	_ =	shalt  }
.Lfunc_end2:
_tile_overlayer_lowered:
.L_overlay_start_2:
0x5a: {  	(tag) =	ssettag $0x2  }
0x5b: {  	s0 =	rddreg [dreg:$0x0];
	s2 =	stileid.u32  }
0x5c: {  	s1 =	rddreg [dreg:$0x1];
	p0 =	sne.s32 s2, $0x0  }
0x5d: {  	s3 =	rddreg [dreg:$0x2];
	[bflag:$0x3] =	sbarrier.arrive $0xFFFF;
	s2 =	simm.s32 @!p0 $0x1C02  }
0x5e: {  	[timem:s3], [sflag:s2] =	dma.local @!p0 [hbm:s0], s1  }
0x5f: {  	s0 =	simm.s32 @!p0 $0x2  }
0x60: {  	_ =	swait.ge @!p0 [sflag:s0], s1  }
0x61: {  	s1 =	ssub.s32 @!p0 $0x0, s1;
	[sflag:s0] =	ssyncset.done @!p0 $0x0  }
0x62: {  	[sflag:s0] =	ssyncadd.s32 @!p0 s1  }
0x63: {  	[bflag:$0x3] =	sbarrier.arrive $0xFFFF  }
0x64: {  	_ =	shalt  }

// kernel: scatter_offload_async_start
scs
__scs_entry_jumppad:
0x0: {  	(pc) =	sbr.rel $0x88, $3  }
0x1: {  	(tag) =	ssettag $0x0;
	lr =	simm.s32 $0x1  }
0x2: {  	[smem:$0x3F9B] =	sst lr;
	_ =	strace $0xD0000000  }
0x3: {  	_ = 	snop  }
0x4: {  	_ = 	snop  }
0x5: {  	_ = 	snop  }
0x6: {  	_ = 	snop  }
0x7: {  	_ = 	snop  }
__scs_overlays_trampoline_lowered:
0x8: {  	[smem:$0x3FAA] =	sst s0  }
0x9: {  	[smem:$0x3FAB] =	sst s1  }
0xa: {  	[smem:$0x3FAC] =	sst s2  }
0xb: {  	[smem:$0x3FAD] =	sst s3  }
0xc: {  	[smem:$0x3FAE] =	sst s4  }
0xd: {  	[smem:$0x3FAF] =	sst s5  }
0xe: {  	[smem:$0x3FB0] =	sst s6  }
0xf: {  	[smem:$0x3FB1] =	sst s7  }
0x10: {  	[smem:$0x3FB2] =	sst s8  }
0x11: {  	[smem:$0x3FB3] =	sst s9;
	s0 =	simm.s32 @!p0 $0x0  }
0x12: {  	s1 =	sld [smem:$0x3F99];
	s0 =	simm.s32 @p0 $0x1  }
0x13: {  	[smem:$0x3FB4] =	sst s0;
	s0 =	simm.s32 @!p1 $0x0  }
0x14: {  	s2 =	sld [smem:$0x3F98];
	s0 =	simm.s32 @p1 $0x1  }
0x15: {  	[smem:$0x3FB5] =	sst s0;
	s0 =	simm.s32 @!p2 $0x0  }
0x16: {  	s3 =	sld [smem:$0x3FDB];
	s0 =	simm.s32 @p2 $0x1  }
0x17: {  	s4 =	simm.s32 $0x1BF5;
	[smem:$0x3FB7] =	sst s0  }
0x18: {  	s0 =	sld [smem:$0x3F9A];
	_ =	swait.ge [sflag:s4], $0x0  }
0x19: {  	s7 =	sld [smem:$0x3F9B]  }
0x1a: {  	s8 =	sadd.s32 $0xFFFFE003, lr  }
0x1b: {  	s9 =	sadd.s32 $0xFFFFFEF7, lr;
	s5 =	simm.s32 $0xFFFFFFFF;
	p2 =	slt.u32 s8, $0xFFFFF086  }
0x1c: {  	p1 =	slt.u32 s9, $0xF7A;
	s5 =	simm.s32 @!p2 $0x0  }
0x1d: {  	s5 =	simm.s32 @p1 $0x1;
	p0 =	seq.s32 s7, s2  }
0x1e: {  	s7 =	smul.u32 @!p0 $0xF7A, s2;
	p2 =	seq.s32 @!p0 s5, $0x0  }
0x1f: {  	s9 =	smul.u32 $0xF7A, s1;
	s8 =	simm.s32 @!p0 $0x1BF5;
	p2 =	por !p2, p0  }
0x20: {  	[sflag:s8] =	ssyncset.s32 @!p0 $0xFFFFF086;
	s6 =	sadd.s32 @!p0 s3, s7;
	s7 =	simm.s32 @!p0 $0x108  }
0x21: {  	s3 =	sadd.s32 s3, s9;
	s6 =	sadd.s32 @!p0 $0x88, s6;
	s7 =	simm.s32 @p2 $0x1082  }
0x22: {  	[simem:s7], [sflag:s8] =	dma.local @!p0 [hbm:s6], $0xF7A  }
0x23: {  	s9 =	sor.u32 $0xD0000000, s2;
	s6 =	simm.s32 $0x108;
	_ =	swait.ge @!p0 [sflag:s8], $0x0  }
0x24: {  	s3 =	sadd.s32 $0x88, s3;
	s6 =	simm.s32 @!p1 $0x1082;
	[sflag:s4] =	ssyncset.s32 $0xFFFFF086  }
0x25: {  	[simem:s6], [sflag:s4] =	dma.local [hbm:s3], $0xF7A  }
0x26: {  	[smem:$0x3F9B] =	sst s1;
	(tag) =	ssettag s2;
	_ =	strace s9  }
0x27: {  	s1 =	sld [smem:$0x3FAB]  }
0x28: {  	s2 =	sld [smem:$0x3FAC]  }
0x29: {  	s4 =	sld [smem:$0x3FAE]  }
0x2a: {  	p0 =	seq.s32 s5, $0x0;
	s5 =	sld [smem:$0x3FAF]  }
0x2b: {  	s6 =	sld [smem:$0x3FB0]  }
0x2c: {  	s7 =	sld [smem:$0x3FB1]  }
0x2d: {  	s3 =	simm.s32 $0x108;
	s8 =	sld [smem:$0x3FB2]  }
0x2e: {  	s3 =	simm.s32 @!p0 $0x1082;
	s9 =	sld [smem:$0x3FB3]  }
0x2f: {  	lr =	sadd.s32 s0, s3;
	s0 =	sld [smem:$0x3FAA]  }
0x30: {  	s3 =	sld [smem:$0x3FAD]  }
0x31: {  	[smem:$0x3FB6] =	sst s10  }
0x32: {  	s10 =	sld [smem:$0x3FB4];
	_ =	sdelay $0x3  }
0x33: {  	p0 =	seq.s32 s10, $0x1;
	s10 =	sld [smem:$0x3FB6];
	_ =	sdelay $0x3  }
0x34: {  	[smem:$0x3FB6] =	sst s10  }
0x35: {  	s10 =	sld [smem:$0x3FB5];
	_ =	sdelay $0x3  }
0x36: {  	p1 =	seq.s32 s10, $0x1;
	s10 =	sld [smem:$0x3FB6];
	_ =	sdelay $0x3  }
0x37: {  	[smem:$0x3FB6] =	sst s10  }
0x38: {  	s10 =	sld [smem:$0x3FB7]  }
0x39: {  	_ = 	snop;
	(pc) =	sbr.ind lr, $3  }
0x3a: {  	_ = 	snop  }
0x3b: {  	_ = 	snop  }
0x3c: {  	p2 =	seq.s32 s10, $0x1;
	s10 =	sld [smem:$0x3FB6]  }
0x3d: {  	_ =	shalt  }
0x3e: {  	_ =	shalt  }
0x3f: {  	_ =	shalt  }
0x40: {  	_ =	shalt  }
0x41: {  	_ =	shalt  }
0x42: {  	_ =	shalt  }
0x43: {  	_ =	shalt  }
0x44: {  	_ =	shalt  }
0x45: {  	_ =	shalt  }
0x46: {  	_ =	shalt  }
0x47: {  	_ =	shalt  }
0x48: {  	_ =	shalt  }
0x49: {  	_ =	shalt  }
0x4a: {  	_ =	shalt  }
0x4b: {  	_ =	shalt  }
0x4c: {  	_ =	shalt  }
0x4d: {  	_ =	shalt  }
0x4e: {  	_ =	shalt  }
0x4f: {  	_ =	shalt  }
0x50: {  	_ =	shalt  }
0x51: {  	_ =	shalt  }
0x52: {  	_ =	shalt  }
0x53: {  	_ =	shalt  }
0x54: {  	_ =	shalt  }
0x55: {  	_ =	shalt  }
0x56: {  	_ =	shalt  }
0x57: {  	_ =	shalt  }
0x58: {  	_ =	shalt  }
0x59: {  	_ =	shalt  }
0x5a: {  	_ =	shalt  }
0x5b: {  	_ =	shalt  }
0x5c: {  	_ =	shalt  }
0x5d: {  	_ =	shalt  }
0x5e: {  	_ =	shalt  }
0x5f: {  	_ =	shalt  }
0x60: {  	_ =	shalt  }
0x61: {  	_ =	shalt  }
0x62: {  	_ =	shalt  }
0x63: {  	_ =	shalt  }
0x64: {  	_ =	shalt  }
0x65: {  	_ =	shalt  }
0x66: {  	_ =	shalt  }
0x67: {  	_ =	shalt  }
0x68: {  	_ =	shalt  }
0x69: {  	_ =	shalt  }
0x6a: {  	_ =	shalt  }
0x6b: {  	_ =	shalt  }
0x6c: {  	_ =	shalt  }
0x6d: {  	_ =	shalt  }
0x6e: {  	_ =	shalt  }
0x6f: {  	_ =	shalt  }
0x70: {  	_ =	shalt  }
0x71: {  	_ =	shalt  }
0x72: {  	_ =	shalt  }
0x73: {  	_ =	shalt  }
0x74: {  	_ =	shalt  }
0x75: {  	_ =	shalt  }
0x76: {  	_ =	shalt  }
0x77: {  	_ =	shalt  }
0x78: {  	_ =	shalt  }
0x79: {  	_ =	shalt  }
0x7a: {  	_ =	shalt  }
0x7b: {  	_ =	shalt  }
0x7c: {  	_ =	shalt  }
0x7d: {  	_ =	shalt  }
0x7e: {  	_ =	shalt  }
0x7f: {  	_ =	shalt  }
0x80: {  	_ =	shalt  }
0x81: {  	_ =	shalt  }
0x82: {  	_ =	shalt  }
0x83: {  	_ =	shalt  }
0x84: {  	_ =	shalt  }
0x85: {  	_ =	shalt  }
0x86: {  	_ =	shalt  }
0x87: {  	_ =	shalt  }
.Lfunc_end0:
.L_simem_size_0:
called_computation_lowered:
.L_overlay_start_0:
0x88: {  	s0 =	sld [smem:$0x3FD9]  }
0x89: {  	s1 =	sld [smem:$0x3FFE];
	_ =	sdelay $0x3  }
0x8a: {  	s0 =	sadd.s32 s1, s0  }
0x8b: {  	[smem:$0x3FC2] =	sst s0  }
0x8c: {  	_ = 	snop  }
0x8d: {  	(tm) =	ssettm $0x1  }
0x8e: {  	s15 =	sld [smem:$0x3FFB];
	_ =	sdelay $0x3  }
0x8f: {  	_ =	strace s15  }
0x90: {  	s0 =	sld [smem:$0x3FFC];
	_ =	sdelay $0x3  }
0x91: {  	_ =	strace s0  }
0x92: {  	s0 =	sld [smem:$0x3FFD];
	_ =	sdelay $0x3  }
0x93: {  	_ =	strace s0  }
0x94: {  	_ =	strace $0x8FFFFFFF  }
0x95: {  	s16 =	sld [smem:$0x3FDB];
	_ =	sdelay $0x1  }
0x96: {  	s17 =	simm.s32 $_scs_section_size  }
0x97: {  	s2 =	simm.s32 $_size__tile_overlayer_lowered;
	s3 =	simm.s32 $_tile_overlayer_lowered  }
0x98: {  	s20 =	simm.s32 $0x1BFF;
	s19 =	sshll.u32 s3, $0x1;
	s0 =	sadd.s32 s17, s16  }
0x99: {  	s4 =	simm.s32 $0x0;
	s18 =	sshll.u32 s2, $0x1;
	s2 =	sadd.s32 s19, s0  }
0x9a: {  	[timem:s4], [sflag:s20] =	dma.local [hbm:s2], s18  }
0x9b: {  	_ =	swait.ge [sflag:s20], s18  }
0x9c: {  	s1 =	ssub.s32 $0x0, s18;
	[sflag:s20] =	ssyncset.done $0x0  }
0x9d: {  	[sflag:s20] =	ssyncadd.s32 s1;
	_ =	sdelay $0x1  }
0x9e: {  	s21 =	simm.s32 $0x1B8B  }
0x9f: {  	_ =	swait.ge [sflag:s21], $0x1  }
0xa0: {  	[sflag:s21] =	ssyncset.done $0x0  }
0xa1: {  	s23 =	simm.s32 $0x1B8E;
	s22 =	sld [smem:$0x3FFE];
	[sflag:s21] =	ssyncadd.s32 $0xFFFFFFFF  }
0xa2: {  	s24 =	simm.s32 $execute0_lowered;
	[smem:$0x3FD2] =	sst s23  }
0xa3: {  	s2 =	sshll.u32 s24, $0x1;
	_ =	strace $0x80000046;
	[dreg:$0x1] =	wrdreg $0xFFFFFFFF  }
0xa4: {  	s25 =	simm.s32 $_size_execute0_lowered;
	s0 =	sadd.s32 s0, s2;
	[dreg:$0x0] =	wrdreg $0x0  }
0xa5: {  	s2 =	sshll.u32 s25, $0x1;
	[dreg:$0x2] =	wrdreg s0  }
0xa6: {  	[dreg:$0x3] =	wrdreg s2  }
0xa7: {  	[dreg:$0x4] =	wrdreg $0xC0  }
0xa8: {  	_ =	task [dreg:s4], $0x5FFFF  }
0xa9: {  	[dreg:$0x1] =	wrdreg $0xFFFFFFFF  }
0xaa: {  	[dreg:$0x0] =	wrdreg $0x60  }
0xab: {  	[dreg:$0x2] =	wrdreg s22  }
0xac: {  	[dreg:$0x3] =	wrdreg $0x9  }
0xad: {  	_ =	task.clear_ibuf [dreg:s4], $0x4FFFF;
	_ =	strace $0x90000046  }
0xae: {  	s26 =	simm.s32 $0x9;
	_ =	strace $0x80000048  }
0xaf: {  	_ =	swait.ge [sflag:s26], $0x1  }
0xb0: {  	[sflag:s26] =	ssyncadd.s32 $0xFFFFFFFF  }
0xb1: {  	_ =	strace $0x90000048  }
0xb2: {  	_ =	sfence  }
0xb3: {  	s28 =	sld [smem:$0x0];
	_ =	sdelay $0x1  }
0xb4: {  	s29 =	srdreg.scid  }
0xb5: {  	s30 =	sshll.u32 s29, $0xD;
	s31 =	sshrl.u32 s29, $0x2  }
0xb6: {  	s1 =	sand.u32 $0x1, s29;
	s2 =	sand.u32 $0x4000, s30;
	s0 =	sadd.s32 s31, s28  }
0xb7: {  	s1 =	sor.u32 s2, s1;
	s0 =	sshll.u32 s0, $0x11  }
0xb8: {  	s0 =	sor.u32 s0, s1  }
0xb9: {  	s0 =	sadd.s32 $0x8F2B, s0  }
0xba: {  	[sflag:s0] =	ssyncadd.remote.s32 $0x1  }
0xbb: {  	_ =	sfence.sel $0xFFFF  }
0xbc: {  	[dreg:$0x0] =	wrdreg $0xFFFFFFFF;
	(pc) =	sbr.abs _section_cstart, $3  }
0xbd: {  	[dreg:$0x1] =	wrdreg $0xFFFFFFFF  }
0xbe: {  	_ =	task.clear_ibuf [dreg:s4], $0x2FFFF;
	_ =	strace $0x9FFFFFFF  }
0xbf: {  	(tm) =	ssettm $0x7FFFFFFF  }
tec
execute0_lowered:
.L_overlay_start_1:
0x0: {  	(tag) =	ssettag $0x1  }
0x1: {  	s0 =	rddreg [dreg:$0x0]  }
0x2: {  	s14 =	stileid.u32;
	_ =	strace $0x80000047;
	s2 =	simm.s32 $0x1  }
0x3: {  	v1 =	vimm.s32 $0xFFFFFFFF;
	s1 =	smin.u32 s14, $0x4;
	[sflag:s2] =	ssyncpa.u1 $0x0  }
0x4: {  	s1 =	sadd.s32 s14, s1;
	[tilespmem:$0x10] =	vst v1  }
0x5: {  	v0 =	vimm.f32 $0.0e+00;
	p0 =	slt.u32 s14, $0x4;
	[tilespmem:$0x20] =	vst v1;
	s3 =	smul.u32 $0x1F40, s1;
	s1 =	simm.s32 $0x3E80  }
0x6: {  	[tilespmem:$0x30] =	vst v0;
	s1 =	simm.s32 @!p0 $0x1F40  }
0x7: {  	[tilespmem:$0x40] =	vst v0;
	s1 =	sadd.s32 s1, s3  }
0x8: {  	[tilespmem:$0x50] =	vst v0;
	s4 =	smin.u32 s1, $0x27100  }
0x9: {  	[tilespmem:$0x60] =	vst v1;
	s9 =	ssub.s32 s4, s3  }
0xa: {  	s7 =	simm.s32 $0x2;
	s8 =	simm.s32 $0x8;
	[tilespmem:$0x70] =	vst v1;
	p0 =	sgt.s32 s9, $0x0  }
0xb: {  	s31 =	simm.s32 $0x9;
	s16 =	simm.s32 $0x0;
	[tilespmem:$0x80] =	vst v1;
	s9 =	simm.s32 @!p0 $0x0  }
0xc: {  	s17 =	simm.s32 $0xF0;
	s18 =	simm.s32 $0xFFFFFFFF;
	v1 =	vimm.s32 $0x0;
	[tilespmem:$0xB0] =	vst v0;
	s5 =	smulhi.u32 $0x10624DD3, s9  }
0xd: {  	s19 =	simm.s32 $0xFFFFC280;
	s20 =	simm.s32 $0xFFFFFFFE;
	s21 =	simm.s32 $0xF;
	[tilespmem:$0x90] =	vst v1  }
0xe: {  	[tilespmem:$0xA0] =	vst v1;
	[sflag:s7] =	ssyncpa.u1 $0x0;
	s7 =	simm.s32 $0x7;
	s10 =	sshrl.u32 s5, $0x9  }
0xf: {  	s25 =	simm.s32 $0x0;
	[sflag:s7] =	ssyncpa.u1 $0x0;
	s11 =	smul.u32 $0x1F40, s10  }
0x10: {  	s24 =	simm.s32 $0x0;
	s6 =	sadd.s32 $0x5E00, s0;
	[sflag:s8] =	ssyncpa.u1 $0x0  }
.Ltmp0:
0x11: {  	s23 =	smov.u32 s3;
	p0 =	sne.s32 s9, s11;
	(pc) =	sbr.rel .LBB2_1-.Ltmp0, $4  }
0x12: {  	s1 =	sadd.s32 $0xFE00, s0;
	[sflag:s31] =	ssyncpa.u1 $0x0;
	s2 =	simm.s32 @!p0 $0x0  }
0x13: {  	s5 =	sadd.s32 $0xE00, s0;
	p0 =	por $0x0, $0x0;
	s9 =	sadd.s32 s2, s10  }
0x14: {  	vm0 =	vmmov $0xffff;
	v2 =	vlaneseq.u32;
	s10 =	sshll.u32 s14, $0x1;
	s14 =	sshllo.u32 s14, $0x1;
	s11 =	sadd.s32 $0x1, s9  }
0x15: {  	vm1 =	vmxor vm1, vm1;
	vm2 =	vmmov $0x1;
	vm3 =	vcmask $0x3F3C;
	s12 =	sadd.s32 $0x2, s9;
	s13 =	sor.u32 $0x81, s10;
	s15 =	sor.u32 $0x80, s10  }
.LBB2_9:
0x16: {  	p1 =	slt.u32 s24, $0x3  }
0x17: {  	s0 =	simm.s32 @!p1 $0x2  }
0x18: {  	_ =	swait.ge @!p1 [sflag:s0], $0x1F40  }
0x19: {  	[sflag:s0] =	ssyncset.done @!p1 $0x0  }
0x1a: {  	[sflag:s0] =	ssyncadd.s32 @!p1 $0xFFFFE0C0;
	s0 =	simm.s32 @!p1 $0x9  }
0x1b: {  	_ =	swait.ge @!p1 [sflag:s0], $0x10  }
0x1c: {  	[sflag:s0] =	ssyncset.done @!p1 $0x0  }
0x1d: {  	[sflag:s0] =	ssyncadd.s32 @!p1 $0xFFFFFFF0;
	p1 =	sne.s32 s24, s12  }
.Ltmp1:
0x1e: {  	s2 =	sadd.s32 $0x1F40, s23;
	(pc) =	sbr.rel @!p1 .LBB2_10-.Ltmp1, $4  }
0x1f: {  	s22 =	smov.u32 s3;
	s31 =	sadd.s32 $0x1, s24;
	s17 =	sadd.s32 $0x1F40, s17  }
0x20: {  	s18 =	sadd.s32 $0x1, s18;
	s25 =	smov.u32 s23;
	p2 =	slt.s32 s2, s4  }
0x21: {  	p0 =	por !p0, !p0;
	s19 =	sadd.s32 $0x1F40, s19;
	s22 =	smov.u32 @p2 s2  }
0x22: {  	s20 =	sadd.s32 $0x1, s20;
	s23 =	smov.u32 s22;
	s24 =	smov.u32 s31  }
.LBB2_1:
0x23: {  	p1 =	sge.u32 s24, s9  }
0x24: {  	s0 =	smulhi.u32 @!p1 $0xAAAAAAAB, s24;
	_ =	sdelay $0x1  }
0x25: {  	s0 =	sshrl.u32 @!p1 s0, $0x1  }
0x26: {  	s0 =	smul.u32 @!p1 $0x3, s0;
	_ =	sdelay $0x1  }
0x27: {  	s0 =	ssub.s32 @!p1 s24, s0  }
0x28: {  	s0 =	smul.u32 @!p1 $0x7D00, s0;
	_ =	sdelay $0x1  }
0x29: {  	s2 =	sshrl.u32 @!p1 s23, $0x3;
	s0 =	sshrl.u32 @!p1 s0, $0x2  }
0x2a: {  	s22 =	sand.u32 @!p1 $0x7, s23;
	s2 =	sadd.s32 @!p1 s5, s2;
	s0 =	sadd.s32 @!p1 $0x100, s0  }
0x2b: {  	[tilespmem:s0], [sflag:$0x7] =	stream.linear.gather @!p1 [hbm4b:s2+s22], $0x1F40, $0x38;
	[tilespmem:$0x11A60] =	vst v63  }
0x2c: {  	s0 =	sadd.s32 $0xFFFFFFFF, s24  }
0x2d: {  	p1 =	sge.u32 s0, s9  }
.Ltmp2:
0x2e: {  	_ = 	snop;
	(pc) =	sbr.rel @p1 .LBB2_5-.Ltmp2, $1  }
0x2f: {  	_ =	sdelay $0x3  }
0x30: {  	s2 =	smulhi.u32 $0xAAAAAAAB, s0;
	_ =	sdelay $0x1  }
0x31: {  	s2 =	sshrl.u32 s2, $0x1  }
0x32: {  	s2 =	smul.u32 $0x3, s2;
	_ =	sdelay $0x1  }
0x33: {  	s2 =	ssub.s32 s0, s2  }
0x34: {  	s2 =	smul.u32 $0x7D00, s2  }
0x35: {  	_ =	swait.ge [sflag:s7], $0x1F40  }
0x36: {  	[sflag:s7] =	ssyncset.done $0x0;
	s2 =	sshrl.u32 s2, $0x2  }
0x37: {  	[sflag:s7] =	ssyncadd.s32 $0xFFFFE0C0;
	(ifvalue) =	ssetifvalue $0xFFFFFFFF;
	v3 =	vld.msk [tilespmem:s2+$0x100 ss:$0x1], $0xffff;
	_ =	sdelay $0x2  }
0x38: {  	s30 =	smulhi.u32 $0xAAAAAAAB, s18;
	p1 =	sne.s32 s24, $0x1  }
0x39: {  	v4 =	vimm.s32 @!p1 $0x0  }
0x3a: {  	s2 =	sshrl.u32 s30, $0x1;
	v4 =	vperm.xlane @!p1 v3, v4  }
0x3b: {  	s22 =	sshll.u32 s24, $0x4;
	s2 =	smul.u32 $0xFFFE8900, s2;
	vm4 =	vlt.u32 v3, $0x2800  }
0x3c: {  	s22 =	sand.u32 $0x10, s22;
	v3 =	vnsel vm4, $0xFFFFFFFE, v3;
	vm4 =	vlt.u32 @!p1 v4, $0x2800  }
0x3d: {  	s2 =	sshra.s32 s2, $0x2;
	[tilespmem:s22+$0x60] =	vst v3;
	v3 =	vnsel @!p1 vm4, $0xFFFFFFFE, v4  }
0x3e: {  	s28 =	sadd.s32 s2, s17;
	[tilespmem:$0x80] =	vst @!p1 v3  }
0x3f: {  	v3 =	vld.msk [tilespmem:s28+$0x0 ss:$0x1], $0xffff;
	_ =	sdelay $0x4  }
0x40: {  	(xrf1) =	vunique.msk.u32 $0xffff, v3;
	_ =	sdelay $0xd  }
0x41: {  	v4 =	vimm.s32 $0xFFFFFFFF;
	v5, _, _ =	vpop (xrf1)  }
0x42: {  	vm5 =	vne.s32 v3, v4;
	vm4 =	veq.s32 v5, v2  }
0x43: {  	vm6 =	vlt.u32 v3, $0x2800;
	vm4 =	vmand vm5, vm4  }
0x44: {  	vm4 =	vmand vm6, vm4  }
0x45: {  	v4 =	vnsel vm4, $0xFFFFFFFF, v3  }
0x46: {  	s31 =	sand.u32 $0x1, s0  }
0x47: {  	s0 =	simm.s32 $0x1F40;
	p1 =	seq.s32 s31, $0x1  }
0x48: {  	s0 =	simm.s32 @!p1 $0x0  }
0x49: {  	s26 =	sadd.s32 $0x7DF0, s0;
	(ifvalue) =	ssetifvalue $0xFFFFFFFF  }
0x4a: {  	v3 =	vperm.xlane v3, v1;
	[tilespmem:s26], [sflag:$0x8] =	stream.indirect_vreg.gather [hbm4b:s1+s16], $0x1, v4, vm0, $0x4038;
	v4 =	vnsel vm6, $0xFFFFFFFE, v4;
	[tilespmem:$0x11A60] =	vst v63  }
0x4b: {  	s2 =	simm.s32 $0x0;
	s22 =	sadd.s32 $0xFFFFFFF0, s28;
	[tilespmem:s28+$0x0] =	vst v4  }
.LBB2_3:
0x4c: {  	v4 =	vld.msk [tilespmem:s22+$0x0 ss:$0x1], $0xffff;
	s2 =	sadd.s32 $0x10, s2;
	v5 =	vmov v3;
	s28 =	smov.u32 s22  }
0x4d: {  	p1 =	slt.u32 s2, $0x1F30;
	_ =	sdelay $0x4  }
0x4e: {  	v3 =	vperm.xlane v4, v1;
	(xrf1) =	vunique.msk.u32 $0xffff, v4;
	_ =	sdelay $0xd  }
0x4f: {  	v6, _, _ =	vpop (xrf1)  }
0x50: {  	vm5 =	vne.s32 v4, v5;
	vm4 =	veq.s32 v6, v2  }
0x51: {  	vm6 =	vlt.u32 v4, $0x2800;
	vm4 =	vmand vm5, vm4  }
0x52: {  	vm4 =	vmand vm6, vm4  }
0x53: {  	v4 =	vnsel vm4, $0xFFFFFFFF, v4  }
.Ltmp3:
0x54: {  	v5 =	vnsel vm6, $0xFFFFFFFE, v4;
	(pc) =	sbr.rel @p1 .LBB2_3-.Ltmp3, $3  }
0x55: {  	_ =	sdelay $0x1  }
0x56: {  	s22 =	sadd.s32 $0xFFFFFFF0, s22;
	s26 =	sadd.s32 $0xFFFFFFF0, s26;
	(ifvalue) =	ssetifvalue $0xFFFFFFFF  }
0x57: {  	[tilespmem:s26], [sflag:$0x8] =	stream.indirect_vreg.gather [hbm4b:s1+s16], $0x1, v4, vm0, $0x4038;
	[tilespmem:s28+$0x0] =	vst v5  }
0x58: {  	s2 =	sshrl.u32 s25, $0x3  }
0x59: {  	s0 =	sadd.s32 $0x9D40, s0;
	s2 =	sadd.s32 s6, s2  }
0x5a: {  	[tilespmem:s0], [sflag:$0x8] =	stream.linear.gather [hbm:s2], $0x1F40, $0x38;
	[tilespmem:$0x11A60] =	vst v63  }
.LBB2_5:
0x5b: {  	p1 =	slt.u32 s24, $0x2  }
0x5c: {  	p2 =	sge.u32 @!p1 s24, s12  }
0x5d: {  	p1 =	por p1, p2  }
.Ltmp4:
0x5e: {  	_ = 	snop;
	(pc) =	sbr.rel @p1 .LBB2_9-.Ltmp4, $1  }
0x5f: {  	_ =	sdelay $0x3  }
0x60: {  	s0 =	sadd.s32 $0xFFFFFFFE, s24  }
0x61: {  	s2 =	smulhi.u32 $0xAAAAAAAB, s0;
	_ =	sdelay $0x1  }
0x62: {  	s2 =	sshrl.u32 s2, $0x1  }
0x63: {  	s2 =	smul.u32 $0x3, s2;
	_ =	sdelay $0x1  }
0x64: {  	s0 =	ssub.s32 s0, s2  }
0x65: {  	_ =	swait.ge [sflag:s8], $0x3E80;
	s0 =	smul.u32 $0x1F40, s0  }
0x66: {  	p1 =	sne.s32 s24, s11;
	[sflag:s8] =	ssyncset.done $0x0  }
0x67: {  	[sflag:s8] =	ssyncadd.s32 $0xFFFFC180;
	s2 =	sadd.s32 @!p1 $0x203F, s0  }
0x68: {  	[spmem:s13] =	stream.linear.scatter @!p1 [tilespmem:s2], [sflag:$0x1], $0x1, $0x38;
	[tilespmem:$0x11A60] =	vst v63  }
0x69: {  	s2 =	simm.s32 @!p1 $0x1  }
0x6a: {  	_ =	swait.ge @!p1 [sflag:s2], $0x1  }
0x6b: {  	s22 =	sshll.u32 s24, $0x4;
	[sflag:s2] =	ssyncset.done @!p1 $0x0  }
0x6c: {  	s25 =	sand.u32 $0x10, s22;
	[sflag:s2] =	ssyncadd.s32 @!p1 $0xFFFFFFFF  }
0x6d: {  	s2 =	sxor.u32 $0x10, s25;
	v4 =	vld [tilespmem:s25+$0x10]  }
0x6e: {  	v5 =	vld [tilespmem:s2+$0x60]  }
0x6f: {  	v3 =	vld [tilespmem:$0x80];
	_ =	sdelay $0x2  }
0x70: {  	(v2sf) =	vpush v4, $0x0  }
0x71: {  	(v2sf) =	vpush v5, $0x0  }
0x72: {  	(v2sf) =	vpush v3, $0x0;
	_ =	sdelay $0xc  }
0x73: {  	s22 =	spop (v2sf)  }
0x74: {  	s26 =	spop (v2sf)  }
0x75: {  	s28 =	spop (v2sf)  }
0x76: {  	p2 =	seq.s32 s22, s26;
	p3 =	seq.s32 s28, s22  }
0x77: {  	p3 =	por p2, p3  }
0x78: {  	s26 =	sand.u32 $0x1, s24;
	v4 =	vpsel p3, $0xFFFFFFFF, v4  }
0x79: {  	s29 =	smul.u32 $0x1F40, s26;
	[tilespmem:s25+$0x10] =	vst.msk $0x1, v4  }
0x7a: {  	v4 =	vld [tilespmem:$0x30]  }
0x7b: {  	v5 =	vld [tilespmem:s29+$0x9D40]  }
0x7c: {  	v6 =	vld [tilespmem:s25+$0x40];
	_ =	sdelay $0x3  }
0x7d: {  	vm4 =	vmmov vm1;
	v5 =	vadd.f32 v5, v4  }
0x7e: {  	vm5 =	vmmov vm2;
	vm4 =	vmmov @p2 vm2;
	s22 =	sshll.u32 s26, $0x4;
	v4 =	vadd.f32 v6, v4  }
0x7f: {  	s26 =	sor.u32 $0x11A40, s22;
	vm5 =	vmmov @p3 vm1;
	[tilespmem:s29+$0x9D40] =	vst.msk vm4, v5  }
0x80: {  	[tilespmem:s26+$0x0] =	vst.msk vm5, v4  }
0x81: {  	v4 =	vld [tilespmem:s29+$0x7DF0];
	_ =	sdelay $0x3  }
0x82: {  	v5 =	vimm.f32 $0.0e+00  }
0x83: {  	v4 =	vshift.insert v4, v5, s21  }
0x84: {  	s22 =	sor.u32 $0x40, s2  }
0x85: {  	[tilespmem:s22+$0x0] =	vst.msk $0x1, v4  }
0x86: {  	[tilespmem:s29+$0x7DFF] =	vst.msk $0x1, v5  }
0x87: {  	v4 =	vld [tilespmem:s0+$0x2030];
	_ =	sdelay $0x1  }
0x88: {  	s22 =	smulhi.u32 $0xAAAAAAAB, s20;
	s0 =	simm.s32 $0x1  }
0x89: {  	s0 =	simm.s32 @!p0 $0x0  }
0x8a: {  	s22 =	sshrl.u32 s22, $0x1;
	s0 =	smul.u32 $0x7D00, s0  }
0x8b: {  	s22 =	smul.u32 $0xFFFE8900, s22;
	v4 =	vshift.insert v4, v1, s21  }
0x8c: {  	s0 =	sshrl.u32 s0, $0x2  }
0x8d: {  	s22 =	sshra.s32 s22, $0x2;
	s30 =	sadd.s32 $0x9D40, s0;
	[tilespmem:s2+$0x10] =	vst.msk $0x1, v4  }
0x8e: {  	s22 =	sadd.s32 s22, s19;
	v6 =	vld [tilespmem:s30+$0x0]  }
0x8f: {  	v7 =	vld [tilespmem:s22+$0x0];
	_ =	sdelay $0x3  }
0x90: {  	v5 =	vadd.f32 v6, v5  }
0x91: {  	vm4 =	vne.s32 v7, $0xFFFFFFFF  }
0x92: {  	(xrf2) =	vadd.seg.scan.f32 vm4, v5;
	_ =	sdelay $0x3  }
0x93: {  	s31 =	sadd.s32 $0x5EC0, s0;
	v5 =	vperm.xlane v4, v1  }
0x94: {  	v6 =	vld [tilespmem:s31+$0x0]  }
0x95: {  	vm5 =	veq.s32 v7, v3;
	vm6 =	veq.s32 v7, v5  }
0x96: {  	vm7 =	vgt.u32 v7, $0xFFFFFFFD;
	vm6 =	vmor vm6, vm5  }
0x97: {  	vm6 =	vmor vm6, vm7  }
0x98: {  	v9 =	vld [tilespmem:$0xA0];
	v7 =	vsel vm6, $0xFFFFFFFF, v7  }
0x99: {  	v10 =	vld [tilespmem:$0x90];
	v6 =	vsel vm5, $0x0, v6;
	v8, _, _ =	vpop (xrf2)  }
0x9a: {  	v6 =	vadd.f32 v8, v6  }
0x9b: {  	s0 =	sadd.s32 $0xDBC0, s0  }
0x9c: {  	vm4 =	vmand vm4, vm3;
	[tilespmem:s0+$0x0] =	vst v6;
	(ifvalue) =	ssetifvalue $0xFFFFFFFF  }
0x9d: {  	vm6 =	veq.s32 v9, $0x1;
	[hbm4b:s1+s16] =	stream.indirect_vreg.scatter [tilespmem:s0], [sflag:$0x2], $0x1, v7, vm0, $0x4038;
	v7 =	vsel vm4, $0x0, v8;
	[tilespmem:$0x11A60] =	vst v63  }
0x9e: {  	s2 =	simm.s32 $0x0;
	s22 =	sadd.s32 $0x10, s22;
	vm4 =	vmor vm6, vm5;
	v6 =	vsel vm5, v8, v10;
	v7 =	vshift.insert v7, v0, s21  }
.LBB2_7:
0x9f: {  	v8 =	vld [tilespmem:s22+$0x0];
	s30 =	sadd.s32 $0x10, s30  }
0xa0: {  	s31 =	sadd.s32 $0x10, s31;
	v9 =	vld [tilespmem:s30+$0x0]  }
0xa1: {  	s2 =	sadd.s32 $0x10, s2;
	v10 =	vld [tilespmem:s31+$0x0]  }
0xa2: {  	p2 =	slt.u32 s2, $0x1F30;
	_ =	sdelay $0x2  }
0xa3: {  	v7 =	vadd.f32 v9, v7  }
0xa4: {  	vm5 =	vne.s32 v8, $0xFFFFFFFF  }
0xa5: {  	vm6 =	vmand vm5, vm3;
	(xrf2) =	vadd.seg.scan.f32 vm5, v7;
	_ =	sdelay $0x5  }
0xa6: {  	vm7 =	veq.s32 v8, v5;
	vm5 =	veq.s32 v8, v3  }
0xa7: {  	vm8 =	vgt.u32 v8, $0xFFFFFFFD;
	vm4 =	vmor vm4, vm5;
	vm7 =	vmor vm7, vm5  }
0xa8: {  	vm7 =	vmor vm7, vm8  }
0xa9: {  	v8 =	vsel vm7, $0xFFFFFFFF, v8  }
.Ltmp5:
0xaa: {  	v7 =	vsel vm5, $0x0, v10;
	v9, _, _ =	vpop (xrf2);
	(pc) =	sbr.rel @p2 .LBB2_7-.Ltmp5, $4  }
0xab: {  	v6 =	vsel vm5, v9, v6;
	v10 =	vadd.f32 v9, v7;
	v7 =	vsel vm6, $0x0, v9  }
0xac: {  	s0 =	sadd.s32 $0x10, s0;
	v7 =	vshift.insert v7, v0, s21  }
0xad: {  	s22 =	sadd.s32 $0x10, s22;
	[tilespmem:s0+$0x0] =	vst v10;
	(ifvalue) =	ssetifvalue $0xFFFFFFFF  }
0xae: {  	[hbm4b:s1+s16] =	stream.indirect_vreg.scatter [tilespmem:s0], [sflag:$0x2], $0x1, v8, vm0, $0x4038;
	[tilespmem:$0x11A60] =	vst v63  }
0xaf: {  	v3 =	vld [tilespmem:s29+$0xFAF0];
	_ =	sdelay $0x4  }
0xb0: {  	v3 =	vshift.insert v3, v0, s21  }
0xb1: {  	s0 =	simm.s32 $0x30  }
0xb2: {  	[tilespmem:s0+$0x0] =	vst.msk $0x1, v3  }
0xb3: {  	v3 =	vsel vm4, $0x1, v1;
	[tilespmem:$0x90] =	vst v6  }
0xb4: {  	s0 =	sadd.s32 @!p1 $0xFAFF, s29;
	[tilespmem:$0xA0] =	vst v3  }
0xb5: {  	[spmem:s14] =	stream.linear.scatter @!p1 [tilespmem:s0], [sflag:$0x1], $0x1, $0x38;
	[tilespmem:$0x11A60] =	vst v63  }
0xb6: {  	s0 =	simm.s32 @!p1 $0x1  }
0xb7: {  	v3 =	vmctz.xlane @!p1 vm4;
	_ =	swait.ge @!p1 [sflag:s0], $0x1  }
0xb8: {  	(v2sf) =	vpush @!p1 v4, $0x0  }
0xb9: {  	(v2sf) =	vpush @!p1 v3, $0x0;
	_ =	sdelay $0xd  }
0xba: {  	s2 =	spop @!p1 (v2sf)  }
0xbb: {  	s22 =	spop @!p1 (v2sf)  }
0xbc: {  	p2 =	sne.s32 @!p1 s28, s2;
	p3 =	slt.s32 @!p1 s22, $0xF  }
0xbd: {  	[sflag:s0] =	ssyncset.done @!p1 $0x0;
	p2 =	por p2, p1;
	p3 =	por !p3, p1  }
0xbe: {  	[sflag:s0] =	ssyncadd.s32 @!p1 $0xFFFFFFFF;
	v3 =	vimm.s32 @!p2 $0xFFFFFFFF;
	s22 =	simm.s32 @p3 $0xF  }
0xbf: {  	[tilespmem:$0x80] =	vst @!p2 v3;
	s2 =	sadd.s32 @!p1 $0x90, s22  }
0xc0: {  	[spmem:s10] =	stream.linear.scatter @!p1 [tilespmem:s2], [sflag:$0x1], $0x1, $0x38;
	[tilespmem:$0x11A60] =	vst v63  }
0xc1: {  	_ =	swait.ge @!p1 [sflag:s0], $0x1  }
0xc2: {  	[sflag:s0] =	ssyncset.done @!p1 $0x0  }
0xc3: {  	s2 =	simm.s32 @!p1 $0x80;
	[sflag:s0] =	ssyncadd.s32 @!p1 $0xFFFFFFFF  }
0xc4: {  	[spmem:s15] =	stream.linear.scatter @!p1 [tilespmem:s2], [sflag:$0x1], $0x1, $0x38;
	[tilespmem:$0x11A60] =	vst v63  }
0xc5: {  	_ =	swait.ge @!p1 [sflag:s0], $0x1  }
0xc6: {  	[sflag:s0] =	ssyncset.done @!p1 $0x0  }
0xc7: {  	[sflag:s0] =	ssyncadd.s32 @!p1 $0xFFFFFFFF;
	(ifvalue) =	ssetifvalue $0xFFFFFFFF;
	v3 =	vld [tilespmem:s25+$0x10];
	_ =	sdelay $0x3  }
.Ltmp6:
0xc8: {  	_ = 	snop;
	(pc) =	sbr.rel .LBB2_9-.Ltmp6, $3  }
0xc9: {  	_ =	sdelay $0x1  }
0xca: {  	(ifvalue) =	ssetifvalue $0xFFFFFFFF  }
0xcb: {  	[hbm4b:s1+s16] =	stream.indirect_vreg.scatter [tilespmem:s26], [sflag:$0x9], $0x1, v3, vm0, $0x4038;
	[tilespmem:$0x11A60] =	vst v63  }
.LBB2_10:
0xcc: {  	_ =	sfence.sel $0x180000  }
0xcd: {  	s0 =	simm.s32 $0x7;
	[bflag:$0x0] =	sbarrier.arrive $0xFFFF  }
0xce: {  	s26 =	simm.s32 $0x8;
	[sflag:s0] =	ssyncpa.u1 $0x1  }
0xcf: {  	s28 =	simm.s32 $0x9;
	[sflag:s26] =	ssyncpa.u1 $0x1  }
0xd0: {  	[sflag:s28] =	ssyncpa.u1 $0x1  }
0xd1: {  	_ =	sfence.stream.spmem  }
0xd2: {  	s29 =	simm.s32 $0x3;
	[bflag:$0x0] =	sbarrier.arrive $0xFFFF  }
0xd3: {  	s30 =	simm.s32 $0x4;
	[sflag:s29] =	ssyncpa.u1 $0x1  }
0xd4: {  	s31 =	simm.s32 $0x3C;
	s2 =	stileid.u32;
	[sflag:s30] =	ssyncpa.u1 $0x1  }
0xd5: {  	p0 =	sne.s32 s2, $0x0;
	[sflag:s31] =	ssyncpa.u1 $0x1  }
0xd6: {  	s0 =	simm.s32 @p0 $0x1;
	_ =	sfence @p0  }
0xd7: {  	[sflag:s0] =	ssyncpa.u1 @p0 $0x1;
	s0 =	simm.s32 @p0 $0x2  }
0xd8: {  	[sflag:s0] =	ssyncpa.u1 @p0 $0x1  }
0xd9: {  	_ =	strace @p0 $0x90000047  }
0xda: {  	[bflag:$0x2] =	sbarrier.arrive @p0 $0xFFFF  }
0xdb: {  	_ =	shalt @p0  }
.LBB2_11:
0xdc: {  	_ =	sfence.stream.spmem;
	s0 =	simm.s32 $0x5  }
0xdd: {  	s2 =	simm.s32 $0x80;
	s3 =	simm.s32 $0xC0;
	[sflag:s0] =	ssyncpa.u1 $0x0  }
0xde: {  	[tilespmem:s3], [sflag:$0x5] =	stream.linear.gather [spmem:s2], $0x20, $0x38;
	[tilespmem:$0x11A60] =	vst v63  }
0xdf: {  	s2 =	simm.s32 $0x0;
	s3 =	simm.s32 $0xE0  }
0xe0: {  	[tilespmem:s3], [sflag:$0x5] =	stream.linear.gather [spmem:s2], $0x20, $0x38;
	[tilespmem:$0x11A60] =	vst v63  }
.Ltmp7:
0xe1: {  	_ = 	snop;
	(pc) =	sbr.rel .LBB2_12-.Ltmp7, $4  }
0xe2: {  	_ =	swait.ge [sflag:s0], $0x40  }
0xe3: {  	[sflag:s0] =	ssyncset.done $0x0  }
0xe4: {  	s31 =	simm.s32 $0x6;
	[sflag:s0] =	ssyncadd.s32 $0xFFFFFFC0  }
0xe5: {  	s4 =	simm.s32 $0x0;
	[sflag:s31] =	ssyncpa.u1 $0x0  }
.LBB2_17:
0xe6: {  	p0 =	sgt.u32 s5, $0x27FF  }
0xe7: {  	s0 =	sshrl.u32 @!p0 s5, $0x3  }
0xe8: {  	s5 =	sand.u32 @!p0 $0x7, s5;
	s6 =	simm.s32 @!p0 $0xB0;
	s0 =	sadd.s32 @!p0 s1, s0  }
0xe9: {  	[tilespmem:s6], [sflag:$0x6] =	stream.linear.gather @!p0 [hbm4b:s0+s5], $0x1, $0x38;
	[tilespmem:$0x11A60] =	vst v63  }
0xea: {  	s0 =	simm.s32 @!p0 $0x6  }
0xeb: {  	_ =	swait.ge @!p0 [sflag:s0], $0x1  }
0xec: {  	[sflag:s0] =	ssyncset.done @!p0 $0x0  }
0xed: {  	[sflag:s0] =	ssyncadd.s32 @!p0 $0xFFFFFFFF  }
0xee: {  	v2 =	vmov @!p0 s4;
	v1 =	vld.msk @!p0 [tilespmem:$0xB0], $0x1;
	_ =	sdelay $0x3  }
0xef: {  	s0 =	simm.s32 @!p0 $0xE0  }
0xf0: {  	[tilespmem:v2+s0+$0x0], v1 =	vst.idx.ret.add.f32.msk @!p0 $0x1, v1  }
0xf1: {  	[tilespmem:s2+$0xC0] =	vst.msk $0x1, v0  }
0xf2: {  	v0 =	vld.msk [tilespmem:s4+$0xE0], $0x1;
	_ =	sdelay $0x4  }
0xf3: {  	[tilespmem:s2+$0xE0] =	vst.msk $0x1, v0;
	s2 =	sadd.s32 $0x1, s2  }
.LBB2_19:
0xf4: {  	s4 =	sadd.s32 $0x1, s4  }
0xf5: {  	p0 =	sne.s32 s4, $0x20  }
.Ltmp8:
0xf6: {  	_ = 	snop;
	(pc) =	sbr.rel @!p0 .LBB2_20-.Ltmp8, $1  }
0xf7: {  	_ =	sdelay $0x3  }
.LBB2_12:
0xf8: {  	v0 =	vld.msk [tilespmem:s4+$0xC0], $0x1;
	_ =	sdelay $0x4  }
0xf9: {  	(v2sf) =	vpush v0, $0x0;
	_ =	sdelay $0xe  }
0xfa: {  	s5 =	spop (v2sf)  }
0xfb: {  	p0 =	seq.s32 s5, $0xFFFFFFFF  }
.Ltmp9:
0xfc: {  	_ = 	snop;
	(pc) =	sbr.rel @p0 .LBB2_19-.Ltmp9, $1  }
0xfd: {  	_ =	sdelay $0x3  }
0xfe: {  	p0 =	slt.s32 s2, $0x1  }
.Ltmp10:
0xff: {  	_ = 	snop;
	(pc) =	sbr.rel @p0 .LBB2_17-.Ltmp10, $1  }
0x100: {  	_ =	sdelay $0x3  }
0x101: {  	s0 =	simm.s32 $0xC0;
	p0 =	por $0x0, $0x0  }
0x102: {  	v1 =	vld.msk @!p0 [tilespmem:s0+$0x0], $0x1;
	_ =	sdelay $0x4  }
0x103: {  	(v2sf) =	vpush @!p0 v1, $0x0;
	_ =	sdelay $0xd  }
0x104: {  	p2 =	sne.s32 s2, $0x1  }
.Ltmp11:
0x105: {  	s6 =	spop @!p0 (v2sf);
	(pc) =	sbr.rel @!p2 .LBB2_16-.Ltmp11, $4  }
0x106: {  	p1 =	seq.s32 @!p0 s5, s6  }
0x107: {  	s6 =	simm.s32 $0x0;
	p1 =	por !p1, p0  }
0x108: {  	s8 =	simm.s32 $0xFFFFFFFF;
	s6 =	simm.s32 @p1 $0xFFFFFFFF  }
0x109: {  	s7 =	simm.s32 $0x1;
	s6 =	smov.u32 @p0 s8  }
.LBB2_15:
0x10a: {  	s8 =	smov.u32 s6;
	p0 =	sne.s32 s6, $0xFFFFFFFF  }
0x10b: {  	s0 =	sadd.s32 $0x1, s0;
	s6 =	smov.u32 s7;
	s7 =	sadd.s32 $0x1, s7  }
0x10c: {  	p1 =	sne.s32 s2, s7;
	v1 =	vld.msk @!p0 [tilespmem:s0+$0x0], $0x1;
	_ =	sdelay $0x4  }
0x10d: {  	(v2sf) =	vpush @!p0 v1, $0x0;
	_ =	sdelay $0xe  }
.Ltmp12:
0x10e: {  	s9 =	spop @!p0 (v2sf);
	(pc) =	sbr.rel @p1 .LBB2_15-.Ltmp12, $4  }
0x10f: {  	p2 =	seq.s32 @!p0 s5, s9  }
0x110: {  	p2 =	por !p2, p0  }
0x111: {  	s6 =	simm.s32 @p2 $0xFFFFFFFF  }
0x112: {  	s6 =	smov.u32 @p0 s8  }
.LBB2_16:
0x113: {  	p0 =	sne.s32 s6, $0xFFFFFFFF  }
.Ltmp13:
0x114: {  	_ = 	snop;
	(pc) =	sbr.rel @!p0 .LBB2_17-.Ltmp13, $1  }
0x115: {  	_ =	sdelay $0x3  }
0x116: {  	v0 =	vld.msk [tilespmem:s4+$0xE0], $0x1;
	v1 =	vmov s6  }
.Ltmp14:
0x117: {  	_ = 	snop;
	(pc) =	sbr.rel .LBB2_19-.Ltmp14, $2  }
0x118: {  	_ =	sdelay $0x2  }
0x119: {  	[tilespmem:v1+s3+$0x0], v0 =	vst.idx.ret.add.f32.msk $0x1, v0  }
.LBB2_20:
0x11a: {  	p0 =	slt.s32 s2, $0x1  }
.Ltmp15:
0x11b: {  	_ = 	snop;
	(pc) =	sbr.rel @p0 .LBB2_24-.Ltmp15, $3  }
0x11c: {  	_ =	sdelay $0x1  }
0x11d: {  	s0 =	simm.s32 $0x6  }
0x11e: {  	s3 =	simm.s32 $0x0;
	[sflag:s0] =	ssyncpa.u1 $0x1  }
0x11f: {  	s0 =	simm.s32 $0xC0  }
0x120: {  	v0 =	vld.msk [tilespmem:s0+$0x0], $0x1;
	_ =	sdelay $0x4  }
0x121: {  	(v2sf) =	vpush v0, $0x0;
	_ =	sdelay $0xe  }
0x122: {  	s2 =	sadd.s32 $0xFFFFFFFF, s2;
	s4 =	spop (v2sf)  }
0x123: {  	p1 =	sne.s32 s2, $0x0;
	p0 =	sgt.u32 s4, $0x27FF  }
.Ltmp16:
0x124: {  	s5 =	sshrl.u32 @!p0 s4, $0x3;
	(pc) =	sbr.rel @!p1 .LBB2_23-.Ltmp16, $4  }
0x125: {  	s0 =	simm.s32 $0xE0;
	s4 =	sand.u32 @!p0 $0x7, s4;
	s5 =	sadd.s32 @!p0 s1, s5  }
0x126: {  	[hbm4b:s5+s4] =	stream.linear.scatter @!p0 [tilespmem:s0], [sflag:$0x5], $0x1, $0x38;
	[tilespmem:$0x11A60] =	vst v63  }
0x127: {  	s5 =	simm.s32 $0x0  }
0x128: {  	s4 =	simm.s32 $0xC1;
	s5 =	simm.s32 @!p0 $0x4  }
.LBB2_22:
0x129: {  	v0 =	vld.msk [tilespmem:s4+$0x0], $0x1;
	s2 =	sadd.s32 $0xFFFFFFFF, s2;
	s3 =	sadd.s32 s3, s5  }
0x12a: {  	p0 =	sne.s32 s2, $0x0;
	_ =	sdelay $0x3  }
0x12b: {  	(v2sf) =	vpush v0, $0x0;
	_ =	sdelay $0xe  }
.Ltmp17:
0x12c: {  	s6 =	spop (v2sf);
	(pc) =	sbr.rel @p0 .LBB2_22-.Ltmp17, $4  }
0x12d: {  	s5 =	simm.s32 $0x0;
	p1 =	sgt.u32 s6, $0x27FF  }
0x12e: {  	s0 =	sadd.s32 $0x1, s0;
	s5 =	simm.s32 @!p1 $0x4;
	s7 =	sshrl.u32 @!p1 s6, $0x3  }
0x12f: {  	s4 =	sadd.s32 $0x1, s4;
	s6 =	sand.u32 @!p1 $0x7, s6;
	s7 =	sadd.s32 @!p1 s1, s7  }
0x130: {  	[hbm4b:s7+s6] =	stream.linear.scatter @!p1 [tilespmem:s0], [sflag:$0x5], $0x1, $0x38;
	[tilespmem:$0x11A60] =	vst v63  }
.LBB2_23:
0x131: {  	s0 =	sadd.s32 s3, s5  }
0x132: {  	s3 =	sshrl.u32 s0, $0x2  }
.LBB2_24:
0x133: {  	s0 =	simm.s32 $0x5  }
0x134: {  	_ =	swait.ge [sflag:s0], s3  }
0x135: {  	s1 =	ssub.s32 $0x0, s3;
	[sflag:s0] =	ssyncset.done $0x0  }
0x136: {  	[sflag:s0] =	ssyncadd.s32 s1  }
0x137: {  	[sflag:s0] =	ssyncpa.u1 $0x1  }
0x138: {  	s29 =	simm.s32 $0x1;
	_ =	sfence  }
0x139: {  	s30 =	simm.s32 $0x2;
	[sflag:s29] =	ssyncpa.u1 $0x1  }
0x13a: {  	[sflag:s30] =	ssyncpa.u1 $0x1  }
0x13b: {  	_ =	strace $0x90000047  }
0x13c: {  	[bflag:$0x2] =	sbarrier.arrive $0xFFFF  }
0x13d: {  	s31 =	rddreg [dreg:$0x1]  }
0x13e: {  	s0 =	sadd.s32 $0x100000, s31  }
0x13f: {  	[sflag:s0] =	ssyncadd.tile.s32 $0x1;
	_ =	shalt  }
.Lfunc_end2:
_tile_overlayer_lowered:
.L_overlay_start_2:
0x140: {  	(tag) =	ssettag $0x2  }
0x141: {  	s0 =	rddreg [dreg:$0x0];
	s2 =	stileid.u32  }
0x142: {  	s1 =	rddreg [dreg:$0x1];
	p0 =	sne.s32 s2, $0x0  }
0x143: {  	s3 =	rddreg [dreg:$0x2];
	[bflag:$0x3] =	sbarrier.arrive $0xFFFF;
	s2 =	simm.s32 @!p0 $0x1C01  }
0x144: {  	[timem:s3], [sflag:s2] =	dma.local @!p0 [hbm:s0], s1  }
0x145: {  	s0 =	simm.s32 @!p0 $0x1  }
0x146: {  	_ =	swait.ge @!p0 [sflag:s0], s1  }
0x147: {  	s1 =	ssub.s32 @!p0 $0x0, s1;
	[sflag:s0] =	ssyncset.done @!p0 $0x0  }
0x148: {  	[sflag:s0] =	ssyncadd.s32 @!p0 s1  }
0x149: {  	[bflag:$0x3] =	sbarrier.arrive $0xFFFF  }
0x14a: {  	_ =	shalt  }

</sc_bundles>
